<compile_context>
chip_gen: v7x
topology: tpu7x:2x2x1
jax: 0.10.2.dev20260603
libtpu: 0.0.44.dev20260713+nightly
codegen_flags: <defaults>
</compile_context>

<pallas_src>
import functools

import jax
import jax.numpy as jnp
from jax import lax
from jax.experimental import pallas as pl
from jax.experimental.pallas import tpu as pltpu
from jax.experimental.pallas import tpu_sc as plsc

_N = 10000
_E = 160000
_F = 256
_O = 512
_NC = 2
_NS = 16
_HALF = _F // _NC
_NQ = 4
_QW = _F // _NQ
_EPT = _E // _NS
_CHUNK = 80
_NCHUNK = _EPT // _CHUNK
_RPT = _N // _NS
_DEGW = 8


def _deg_body(ei_hbm, ones_hbm, zeros_hbm, deg_hbm, idx_v, ones_v, sem, acc):
    c = lax.axis_index("c")
    s = lax.axis_index("s")
    pltpu.sync_copy(zeros_hbm, acc.at[pl.ds(s * _RPT, _RPT)])
    pltpu.sync_copy(ones_hbm, ones_v)
    pltpu.sync_copy(ei_hbm.at[1 - c, s], idx_v)
    plsc.subcore_barrier()

    def step(g, carry):
        pltpu.async_copy(ones_v, acc.at[idx_v.at[2 * g]], sem, add=True)
        pltpu.async_copy(ones_v, acc.at[idx_v.at[2 * g + 1]], sem, add=True)
        pltpu.make_async_copy(ones_v, acc.at[idx_v.at[2 * g]], sem).wait()
        pltpu.make_async_copy(ones_v, acc.at[idx_v.at[2 * g + 1]], sem).wait()
        return carry

    lax.fori_loop(0, _NCHUNK // 2, step, 0)
    if _NCHUNK % 2:
        pltpu.sync_copy(ones_v, acc.at[idx_v.at[_NCHUNK - 1]], add=True)
    plsc.subcore_barrier()
    pltpu.sync_copy(acc.at[pl.ds(s * _RPT, _RPT)], deg_hbm.at[c, s])


def _sc_degrees(ei4):
    ones = jnp.ones((_CHUNK, _DEGW), jnp.float32)
    zeros = jnp.zeros((_RPT, _DEGW), jnp.float32)
    mesh = plsc.VectorSubcoreMesh(core_axis_name="c", subcore_axis_name="s")
    f = pl.kernel(
        _deg_body,
        out_type=jax.ShapeDtypeStruct((_NC, _NS, _RPT, _DEGW), jnp.float32),
        mesh=mesh,
        compiler_params=pltpu.CompilerParams(use_tc_tiling_on_sc=False),
        scratch_types=[
            pltpu.VMEM((_NCHUNK, _CHUNK), jnp.int32),
            pltpu.VMEM((_CHUNK, _DEGW), jnp.float32),
            pltpu.SemaphoreType.DMA,
            pltpu.VMEM_SHARED((_N, _DEGW), jnp.float32),
        ],
    )
    return f(ei4, ones, zeros)


def _prescale_body(f_ref, dout_ref, h_ref):
    scale = jax.lax.rsqrt(dout_ref[...])
    x = f_ref[...] * scale
    h_ref[0, :, :] = x[:, :_HALF]
    h_ref[1, :, :] = x[:, _HALF:]


def _tc_prescale(features, dout):
    blk = 1000
    grid = (_N // blk,)
    return pl.pallas_call(
        _prescale_body,
        grid=grid,
        in_specs=[
            pl.BlockSpec((blk, _F), lambda i: (i, 0)),
            pl.BlockSpec((blk, 1), lambda i: (i, 0)),
        ],
        out_specs=pl.BlockSpec((_NC, blk, _HALF), lambda i: (0, i, 0)),
        out_shape=jax.ShapeDtypeStruct((_NC, _N, _HALF), jnp.float32),
    )(features, dout)


def _agg_body(eis_hbm, eid_hbm, h_hbm, zeros_hbm, agg_hbm,
              src_idx, dst_idx, buf0, buf1, gsem, acc):
    c = lax.axis_index("c")
    s = lax.axis_index("s")
    pltpu.sync_copy(eis_hbm.at[s], src_idx)
    pltpu.sync_copy(eid_hbm.at[s], dst_idx)

    bufs = (buf0, buf1)

    def gather(q, j, b):
        pltpu.async_copy(h_hbm.at[q].at[src_idx.at[pl.ds(j * _CHUNK, _CHUNK)]],
                         bufs[b], gsem)

    def wait_gather(q, j, b):
        pltpu.make_async_copy(
            h_hbm.at[q].at[src_idx.at[pl.ds(j * _CHUNK, _CHUNK)]],
            bufs[b], gsem).wait()

    def scatter(j, b):
        pltpu.sync_copy(bufs[b], acc.at[dst_idx.at[j]], add=True)

    def zinit(j, carry):
        pltpu.sync_copy(zeros_hbm, acc.at[pl.ds(s * _RPT + j * 125, 125)])
        return carry

    lax.fori_loop(0, _RPT // 125, zinit, 0)
    plsc.subcore_barrier()

    def group(g, carry):
        gather(c, 2 * g, 0)
        gather(c, 2 * g + 1, 1)
        wait_gather(c, 2 * g, 0)
        scatter(2 * g, 0)
        wait_gather(c, 2 * g + 1, 1)
        scatter(2 * g + 1, 1)
        return carry

    lax.fori_loop(0, _NCHUNK // 2, group, 0)
    if _NCHUNK % 2:
        gather(c, _NCHUNK - 1, 0)
        wait_gather(c, _NCHUNK - 1, 0)
        scatter(_NCHUNK - 1, 0)
    plsc.subcore_barrier()
    pltpu.sync_copy(acc.at[pl.ds(s * _RPT, _RPT)], agg_hbm.at[c, s])


def _sc_aggregate(eis, eid, h3):
    zeros = jnp.zeros((125, _HALF), jnp.float32)
    mesh = plsc.VectorSubcoreMesh(core_axis_name="c", subcore_axis_name="s")
    f = pl.kernel(
        _agg_body,
        out_type=jax.ShapeDtypeStruct((_NC, _NS, _RPT, _HALF), jnp.float32),
        mesh=mesh,
        scratch_types=[
            pltpu.VMEM((_EPT,), jnp.int32),
            pltpu.VMEM((_NCHUNK, _CHUNK), jnp.int32),
            pltpu.VMEM((_CHUNK, _HALF), jnp.float32),
            pltpu.VMEM((_CHUNK, _HALF), jnp.float32),
            pltpu.SemaphoreType.DMA,
            pltpu.VMEM_SHARED((_N, _HALF), jnp.float32),
        ],
    )
    return f(eis, eid, h3, zeros)


def _matmul_body(agg_ref, din_ref, wt_ref, b_ref, o_ref):
    x = jnp.concatenate([agg_ref[0], agg_ref[1]], axis=-1)
    x = x * jax.lax.rsqrt(din_ref[...])
    o_ref[...] = (jnp.dot(x, wt_ref[...],
                          preferred_element_type=jnp.float32)
                  + b_ref[...])


def _tc_matmul(agg3, din, W, b):
    blk = 1000
    grid = (_N // blk,)
    wt = W.T
    b2 = b.reshape(1, _O)
    return pl.pallas_call(
        _matmul_body,
        grid=grid,
        in_specs=[
            pl.BlockSpec((_NC, blk, _HALF), lambda i: (0, i, 0)),
            pl.BlockSpec((blk, 1), lambda i: (i, 0)),
            pl.BlockSpec((_F, _O), lambda i: (0, 0)),
            pl.BlockSpec((1, _O), lambda i: (0, 0)),
        ],
        out_specs=pl.BlockSpec((blk, _O), lambda i: (i, 0)),
        out_shape=jax.ShapeDtypeStruct((_N, _O), jnp.float32),
    )(agg3, din, wt, b2)


def kernel(features, edge_index, W, b):
    ei32 = edge_index.astype(jnp.int32)
    ei4 = ei32.reshape(2, _NS, _NCHUNK, _CHUNK)
    eis = ei32[0].reshape(_NS, _EPT)
    eid = ei32[1].reshape(_NS, _NCHUNK, _CHUNK)
    deg = _sc_degrees(ei4).reshape(_NC, _N, _DEGW)
    din = deg[0, :, :1]
    dout = deg[1, :, :1]
    h3 = _tc_prescale(features, dout)
    agg3 = _sc_aggregate(eis, eid, h3).reshape(_NC, _N, _HALF)
    return _tc_matmul(agg3, din, W, b)

# --- scband reference (transcript-rebuilt; emitter-appended) ---
"""Pipeline reference for scband-gcnlayer-11510512353376 (READ-ONLY COPY).

The authoritative reference and input builder live on the scoring server;
editing this copy changes nothing except your own understanding.
"""

import jax, jax.numpy as jnp
import numpy as np

N_NODES = 10000
N_EDGES = 160000
IN_DIM = 256
OUT_DIM = 512


def setup_inputs(seed: int = 0) -> dict:
    key = jax.random.key(seed)
    k1, k2, k3, k4 = jax.random.split(key, 4)
    features = jax.random.normal(k1, (N_NODES, IN_DIM), dtype=jnp.float32)
    edge_index = jax.random.randint(k2, (2, N_EDGES), 0, N_NODES)
    # Linear layer params (torch nn.Linear: y = x @ W.T + b), kaiming-uniform-ish init
    bound = 1.0 / np.sqrt(IN_DIM)
    W = jax.random.uniform(k3, (OUT_DIM, IN_DIM), dtype=jnp.float32, minval=-bound, maxval=bound)
    b = jax.random.uniform(k4, (OUT_DIM,), dtype=jnp.float32, minval=-bound, maxval=bound)
    return {"features": features, "edge_index": edge_index, "W": W, "b": b}


def reference(features, edge_index, W, b):
    src = edge_index[0]
    dst = edge_index[1]
    ones_e = jnp.ones((N_EDGES,), dtype=jnp.float32)
    # in/out degrees as in DGL g.in_degrees()/g.out_degrees()
    in_deg = jax.ops.segment_sum(ones_e, dst, num_segments=N_NODES)
    out_deg = jax.ops.segment_sum(ones_e, src, num_segments=N_NODES)
    D_in = (1.0 / jnp.sqrt(in_deg))[:, None]
    D_out = (1.0 / jnp.sqrt(out_deg))[:, None]
    # h = features * D_out
    h = features * D_out
    # message: m_e = h[src_e] * w_e, w = ones
    w = jnp.ones((N_EDGES,), dtype=jnp.float32)
    m = h[src] * w[:, None]
    # reduce: sum messages at dst
    agg = jax.ops.segment_sum(m, dst, num_segments=N_NODES)
    h = agg * D_in
    # linear (bias=True), activation=None
    h = h @ W.T + b
    return h

if __name__ == "__main__":
    import jax
    _d = setup_inputs()
    print(jax.jit(kernel)(*tuple(_d.values())))

</pallas_src>

<mosaic_0001>
#map = affine_map<(d0, d1) -> (0, 0)>
#map1 = affine_map<(d0, d1) -> (0, 0, 0)>
#map2 = affine_map<(d0, d1) -> (0, 0, 0, 0)>
module attributes {stable_mosaic.version = 14 : i64} {
  func.func @_agg_body(%arg0: i32, %arg1: i32, %arg2: memref<16x10000xi32, #tpu.memory_space<hbm>>, %arg3: memref<16x125x80xi32, #tpu.memory_space<hbm>>, %arg4: memref<2x10000x128xf32, #tpu.memory_space<hbm>>, %arg5: memref<125x128xf32, #tpu.memory_space<hbm>>, %arg6: memref<2x16x625x128xf32, #tpu.memory_space<hbm>>, %arg7: memref<10000xi32, #tpu.memory_space<vmem>>, %arg8: memref<125x80xi32, #tpu.memory_space<vmem>>, %arg9: memref<80x128xf32, #tpu.memory_space<vmem>>, %arg10: memref<80x128xf32, #tpu.memory_space<vmem>>, %arg11: memref<!tpu.dma_semaphore, #tpu.memory_space<semaphore_mem>>, %arg12: memref<10000x128xf32, #tpu.memory_space<vmem_shared>>) attributes {dimension_semantics = [#tpu.dimension_semantics<core_parallel>, #tpu.dimension_semantics<subcore_parallel>], iteration_bounds = array<i64: 2, 16>, scalar_prefetch = 0 : i64, scratch_operands = 6 : i64, tpu.core_type = #tpu.core_type<sc_vector_subcore>, window_params = [{transform_indices = #map}, {transform_indices = #map1}, {transform_indices = #map1}, {transform_indices = #map}, {transform_indices = #map2}]} {
    "tpu.region"() ({
      %run_scoped3A_29 = tpu.sem_alloc : memref<!tpu.dma_semaphore, #tpu.memory_space<semaphore_mem>>
      %dma_start3A_30 = arith.constant 0 : i32
      %dma_start3A_31 = tpu.memref_slice %arg2[%arg1, %dma_start3A_30] : memref<16x10000xi32, #tpu.memory_space<hbm>> -> memref<1x10000xi32, #tpu.memory_space<hbm>>
      %dma_start3A_32 = tpu.memref_squeeze %dma_start3A_31 : memref<1x10000xi32, #tpu.memory_space<hbm>> -> memref<10000xi32, #tpu.memory_space<hbm>>
      %dma_start3A_33 = arith.constant 0 : i32
      %dma_start3A_34 = tpu.memref_slice %arg2[%arg1, %dma_start3A_33] : memref<16x10000xi32, #tpu.memory_space<hbm>> -> memref<1x10000xi32, #tpu.memory_space<hbm>>
      %dma_start3A_35 = tpu.memref_squeeze %dma_start3A_34 : memref<1x10000xi32, #tpu.memory_space<hbm>> -> memref<10000xi32, #tpu.memory_space<hbm>>
      tpu.enqueue_dma source(%dma_start3A_35 : memref<10000xi32, #tpu.memory_space<hbm>>) target(%arg7 : memref<10000xi32, #tpu.memory_space<vmem>>) target_semaphore(%run_scoped3A_29 : memref<!tpu.dma_semaphore, #tpu.memory_space<semaphore_mem>>)
      %dma_wait3A_36 = arith.constant 0 : i32
      %dma_wait3A_37 = tpu.memref_slice %arg2[%arg1, %dma_wait3A_36] : memref<16x10000xi32, #tpu.memory_space<hbm>> -> memref<1x10000xi32, #tpu.memory_space<hbm>>
      %dma_wait3A_38 = tpu.memref_squeeze %dma_wait3A_37 : memref<1x10000xi32, #tpu.memory_space<hbm>> -> memref<10000xi32, #tpu.memory_space<hbm>>
      %dma_wait3A_39 = arith.constant 0 : i32
      %dma_wait3A_40 = tpu.memref_slice %arg2[%arg1, %dma_wait3A_39] : memref<16x10000xi32, #tpu.memory_space<hbm>> -> memref<1x10000xi32, #tpu.memory_space<hbm>>
      %dma_wait3A_41 = tpu.memref_squeeze %dma_wait3A_40 : memref<1x10000xi32, #tpu.memory_space<hbm>> -> memref<10000xi32, #tpu.memory_space<hbm>>
      tpu.wait_dma2 semaphore(%run_scoped3A_29 : memref<!tpu.dma_semaphore, #tpu.memory_space<semaphore_mem>>) src(%dma_wait3A_41 : memref<10000xi32, #tpu.memory_space<hbm>>) dst(%arg7 : memref<10000xi32, #tpu.memory_space<vmem>>)
      tpu.yield
    }) : () -> ()
    "tpu.region"() ({
      %run_scoped3A_29 = tpu.sem_alloc : memref<!tpu.dma_semaphore, #tpu.memory_space<semaphore_mem>>
      %dma_start3A_30 = arith.constant 0 : i32
      %dma_start3A_31 = arith.constant 0 : i32
      %dma_start3A_32 = tpu.memref_slice %arg3[%arg1, %dma_start3A_30, %dma_start3A_31] : memref<16x125x80xi32, #tpu.memory_space<hbm>> -> memref<1x125x80xi32, #tpu.memory_space<hbm>>
      %dma_start3A_33 = tpu.memref_squeeze %dma_start3A_32 : memref<1x125x80xi32, #tpu.memory_space<hbm>> -> memref<125x80xi32, #tpu.memory_space<hbm>>
      %dma_start3A_34 = arith.constant 0 : i32
      %dma_start3A_35 = arith.constant 0 : i32
      %dma_start3A_36 = tpu.memref_slice %arg3[%arg1, %dma_start3A_34, %dma_start3A_35] : memref<16x125x80xi32, #tpu.memory_space<hbm>> -> memref<1x125x80xi32, #tpu.memory_space<hbm>>
      %dma_start3A_37 = tpu.memref_squeeze %dma_start3A_36 : memref<1x125x80xi32, #tpu.memory_space<hbm>> -> memref<125x80xi32, #tpu.memory_space<hbm>>
      tpu.enqueue_dma source(%dma_start3A_37 : memref<125x80xi32, #tpu.memory_space<hbm>>) target(%arg8 : memref<125x80xi32, #tpu.memory_space<vmem>>) target_semaphore(%run_scoped3A_29 : memref<!tpu.dma_semaphore, #tpu.memory_space<semaphore_mem>>)
      %dma_wait3A_38 = arith.constant 0 : i32
      %dma_wait3A_39 = arith.constant 0 : i32
      %dma_wait3A_40 = tpu.memref_slice %arg3[%arg1, %dma_wait3A_38, %dma_wait3A_39] : memref<16x125x80xi32, #tpu.memory_space<hbm>> -> memref<1x125x80xi32, #tpu.memory_space<hbm>>
      %dma_wait3A_41 = tpu.memref_squeeze %dma_wait3A_40 : memref<1x125x80xi32, #tpu.memory_space<hbm>> -> memref<125x80xi32, #tpu.memory_space<hbm>>
      %dma_wait3A_42 = arith.constant 0 : i32
      %dma_wait3A_43 = arith.constant 0 : i32
      %dma_wait3A_44 = tpu.memref_slice %arg3[%arg1, %dma_wait3A_42, %dma_wait3A_43] : memref<16x125x80xi32, #tpu.memory_space<hbm>> -> memref<1x125x80xi32, #tpu.memory_space<hbm>>
      %dma_wait3A_45 = tpu.memref_squeeze %dma_wait3A_44 : memref<1x125x80xi32, #tpu.memory_space<hbm>> -> memref<125x80xi32, #tpu.memory_space<hbm>>
      tpu.wait_dma2 semaphore(%run_scoped3A_29 : memref<!tpu.dma_semaphore, #tpu.memory_space<semaphore_mem>>) src(%dma_wait3A_45 : memref<125x80xi32, #tpu.memory_space<hbm>>) dst(%arg8 : memref<125x80xi32, #tpu.memory_space<vmem>>)
      tpu.yield
    }) : () -> ()
    %scan3A = arith.constant 0 : i32
    %scan3A_0 = arith.constant 0 : i32
    %scan3A_1 = arith.constant 5 : i32
    %scan3A_2 = arith.addi %scan3A_0, %scan3A_1 : i32
    %scan3A_3 = arith.constant 1 : i32
    scf.for %scan3A_29 = %scan3A_0 to %scan3A_2 step %scan3A_3  : i32 {
      %mul3A_30 = arith.constant 625 : i32
      %mul3A_31 = arith.muli %arg1, %mul3A_30 : i32
      %mul3A_32 = arith.constant 125 : i32
      %mul3A_33 = arith.muli %scan3A_29, %mul3A_32 : i32
      %add3A = arith.addi %mul3A_31, %mul3A_33 : i32
      "tpu.region"() ({
        %run_scoped3A_34 = tpu.sem_alloc : memref<!tpu.dma_semaphore, #tpu.memory_space<semaphore_mem>>
        %dma_start3A_35 = arith.constant 0 : i32
        %dma_start3A_36 = tpu.memref_slice %arg12[%add3A, %dma_start3A_35] : memref<10000x128xf32, #tpu.memory_space<vmem_shared>> -> memref<125x128xf32, #tpu.memory_space<vmem_shared>>
        tpu.enqueue_dma source(%arg5 : memref<125x128xf32, #tpu.memory_space<hbm>>) target(%dma_start3A_36 : memref<125x128xf32, #tpu.memory_space<vmem_shared>>) target_semaphore(%run_scoped3A_34 : memref<!tpu.dma_semaphore, #tpu.memory_space<semaphore_mem>>)
        %dma_wait3A_37 = arith.constant 0 : i32
        %dma_wait3A_38 = tpu.memref_slice %arg12[%add3A, %dma_wait3A_37] : memref<10000x128xf32, #tpu.memory_space<vmem_shared>> -> memref<125x128xf32, #tpu.memory_space<vmem_shared>>
        tpu.wait_dma2 semaphore(%run_scoped3A_34 : memref<!tpu.dma_semaphore, #tpu.memory_space<semaphore_mem>>) src(%arg5 : memref<125x128xf32, #tpu.memory_space<hbm>>) dst(%dma_wait3A_38 : memref<125x128xf32, #tpu.memory_space<vmem_shared>>)
        tpu.yield
      }) : () -> ()
    }
    %scan3A_4 = arith.constant 5 : i32
    %barrier3A = arith.constant 0 : index
    tpu.barrier barrier_id(%barrier3A)
    %scan3A_5 = arith.constant 0 : i32
    %scan3A_6 = arith.constant 0 : i32
    %scan3A_7 = arith.constant 62 : i32
    %scan3A_8 = arith.addi %scan3A_6, %scan3A_7 : i32
    %scan3A_9 = arith.constant 1 : i32
    scf.for %scan3A_29 = %scan3A_6 to %scan3A_8 step %scan3A_9  : i32 {
      %mul3A_30 = arith.constant 2 : i32
      %mul3A_31 = arith.muli %mul3A_30, %scan3A_29 : i32
      %mul3A_32 = arith.constant 80 : i32
      %mul3A_33 = arith.muli %mul3A_31, %mul3A_32 : i32
      %dma_start3A_34 = tpu.memref_slice %arg7[%mul3A_33] : memref<10000xi32, #tpu.memory_space<vmem>> -> memref<80xi32, #tpu.memory_space<vmem>>
      %dma_start3A_35 = arith.constant 0 : i32
      %dma_start3A_36 = arith.constant 0 : i32
      %dma_start3A_37 = tpu.memref_slice %arg4[%arg0, %dma_start3A_35, %dma_start3A_36] : memref<2x10000x128xf32, #tpu.memory_space<hbm>> -> memref<1x10000x128xf32, #tpu.memory_space<hbm>>
      %dma_start3A_38 = tpu.memref_squeeze %dma_start3A_37 : memref<1x10000x128xf32, #tpu.memory_space<hbm>> -> memref<10000x128xf32, #tpu.memory_space<hbm>>
      %dma_start3A_39 = arith.constant 0 : i32
      %dma_start3A_40 = arith.constant 0 : i32
      %dma_start3A_41 = tpu.memref_slice %dma_start3A_38[%dma_start3A_39, %dma_start3A_40] : memref<10000x128xf32, #tpu.memory_space<hbm>> -> memref<10000x128xf32, #tpu.memory_space<hbm>>
      tpu.enqueue_indirect_dma source(%dma_start3A_41 : memref<10000x128xf32, #tpu.memory_space<hbm>>) target(%arg9 : memref<80x128xf32, #tpu.memory_space<vmem>>) offsets(%dma_start3A_34 : memref<80xi32, #tpu.memory_space<vmem>>) semaphore(%arg11 : memref<!tpu.dma_semaphore, #tpu.memory_space<semaphore_mem>>)
      %mul3A_42 = arith.constant 2 : i32
      %mul3A_43 = arith.muli %mul3A_42, %scan3A_29 : i32
      %add3A = arith.constant 1 : i32
      %add3A_44 = arith.addi %mul3A_43, %add3A : i32
      %mul3A_45 = arith.constant 80 : i32
      %mul3A_46 = arith.muli %add3A_44, %mul3A_45 : i32
      %dma_start3A_47 = tpu.memref_slice %arg7[%mul3A_46] : memref<10000xi32, #tpu.memory_space<vmem>> -> memref<80xi32, #tpu.memory_space<vmem>>
      %dma_start3A_48 = arith.constant 0 : i32
      %dma_start3A_49 = arith.constant 0 : i32
      %dma_start3A_50 = tpu.memref_slice %arg4[%arg0, %dma_start3A_48, %dma_start3A_49] : memref<2x10000x128xf32, #tpu.memory_space<hbm>> -> memref<1x10000x128xf32, #tpu.memory_space<hbm>>
      %dma_start3A_51 = tpu.memref_squeeze %dma_start3A_50 : memref<1x10000x128xf32, #tpu.memory_space<hbm>> -> memref<10000x128xf32, #tpu.memory_space<hbm>>
      %dma_start3A_52 = arith.constant 0 : i32
      %dma_start3A_53 = arith.constant 0 : i32
      %dma_start3A_54 = tpu.memref_slice %dma_start3A_51[%dma_start3A_52, %dma_start3A_53] : memref<10000x128xf32, #tpu.memory_space<hbm>> -> memref<10000x128xf32, #tpu.memory_space<hbm>>
      tpu.enqueue_indirect_dma source(%dma_start3A_54 : memref<10000x128xf32, #tpu.memory_space<hbm>>) target(%arg10 : memref<80x128xf32, #tpu.memory_space<vmem>>) offsets(%dma_start3A_47 : memref<80xi32, #tpu.memory_space<vmem>>) semaphore(%arg11 : memref<!tpu.dma_semaphore, #tpu.memory_space<semaphore_mem>>)
      %mul3A_55 = arith.constant 2 : i32
      %mul3A_56 = arith.muli %mul3A_55, %scan3A_29 : i32
      %mul3A_57 = arith.constant 80 : i32
      %mul3A_58 = arith.muli %mul3A_56, %mul3A_57 : i32
      %dma_wait3A_59 = tpu.memref_slice %arg7[%mul3A_58] : memref<10000xi32, #tpu.memory_space<vmem>> -> memref<80xi32, #tpu.memory_space<vmem>>
      %dma_wait3A_60 = arith.constant 0 : i32
      %dma_wait3A_61 = arith.constant 0 : i32
      %dma_wait3A_62 = tpu.memref_slice %arg4[%arg0, %dma_wait3A_60, %dma_wait3A_61] : memref<2x10000x128xf32, #tpu.memory_space<hbm>> -> memref<1x10000x128xf32, #tpu.memory_space<hbm>>
      %dma_wait3A_63 = tpu.memref_squeeze %dma_wait3A_62 : memref<1x10000x128xf32, #tpu.memory_space<hbm>> -> memref<10000x128xf32, #tpu.memory_space<hbm>>
      %dma_wait3A_64 = arith.constant 0 : i32
      %dma_wait3A_65 = arith.constant 0 : i32
      %dma_wait3A_66 = tpu.memref_slice %dma_wait3A_63[%dma_wait3A_64, %dma_wait3A_65] : memref<10000x128xf32, #tpu.memory_space<hbm>> -> memref<10000x128xf32, #tpu.memory_space<hbm>>
      tpu.wait_indirect_dma semaphore(%arg11 : memref<!tpu.dma_semaphore, #tpu.memory_space<semaphore_mem>>) src(%dma_wait3A_66 : memref<10000x128xf32, #tpu.memory_space<hbm>>) dst(%arg9 : memref<80x128xf32, #tpu.memory_space<vmem>>)
      %mul3A_67 = arith.constant 2 : i32
      %mul3A_68 = arith.muli %mul3A_67, %scan3A_29 : i32
      "tpu.region"() ({
        %run_scoped3A_87 = tpu.sem_alloc : memref<!tpu.dma_semaphore, #tpu.memory_space<semaphore_mem>>
        %dma_start3A_88 = arith.constant 0 : i32
        %dma_start3A_89 = tpu.memref_slice %arg8[%mul3A_68, %dma_start3A_88] : memref<125x80xi32, #tpu.memory_space<vmem>> -> memref<1x80xi32, #tpu.memory_space<vmem>>
        %dma_start3A_90 = tpu.memref_squeeze %dma_start3A_89 : memref<1x80xi32, #tpu.memory_space<vmem>> -> memref<80xi32, #tpu.memory_space<vmem>>
        %dma_start3A_91 = arith.constant 0 : i32
        %dma_start3A_92 = arith.constant 0 : i32
        %dma_start3A_93 = tpu.memref_slice %arg12[%dma_start3A_91, %dma_start3A_92] : memref<10000x128xf32, #tpu.memory_space<vmem_shared>> -> memref<10000x128xf32, #tpu.memory_space<vmem_shared>>
        tpu.enqueue_indirect_dma source(%arg9 : memref<80x128xf32, #tpu.memory_space<vmem>>) target(%dma_start3A_93 : memref<10000x128xf32, #tpu.memory_space<vmem_shared>>) offsets(%dma_start3A_90 : memref<80xi32, #tpu.memory_space<vmem>>) semaphore(%run_scoped3A_87 : memref<!tpu.dma_semaphore, #tpu.memory_space<semaphore_mem>>) {add = true}
        %dma_wait3A_94 = arith.constant 0 : i32
        %dma_wait3A_95 = tpu.memref_slice %arg8[%mul3A_68, %dma_wait3A_94] : memref<125x80xi32, #tpu.memory_space<vmem>> -> memref<1x80xi32, #tpu.memory_space<vmem>>
        %dma_wait3A_96 = tpu.memref_squeeze %dma_wait3A_95 : memref<1x80xi32, #tpu.memory_space<vmem>> -> memref<80xi32, #tpu.memory_space<vmem>>
        %dma_wait3A_97 = arith.constant 0 : i32
        %dma_wait3A_98 = arith.constant 0 : i32
        %dma_wait3A_99 = tpu.memref_slice %arg12[%dma_wait3A_97, %dma_wait3A_98] : memref<10000x128xf32, #tpu.memory_space<vmem_shared>> -> memref<10000x128xf32, #tpu.memory_space<vmem_shared>>
        tpu.wait_indirect_dma semaphore(%run_scoped3A_87 : memref<!tpu.dma_semaphore, #tpu.memory_space<semaphore_mem>>) src(%arg9 : memref<80x128xf32, #tpu.memory_space<vmem>>) dst(%dma_wait3A_99 : memref<10000x128xf32, #tpu.memory_space<vmem_shared>>)
        tpu.yield
      }) : () -> ()
      %mul3A_69 = arith.constant 2 : i32
      %mul3A_70 = arith.muli %mul3A_69, %scan3A_29 : i32
      %add3A_71 = arith.constant 1 : i32
      %add3A_72 = arith.addi %mul3A_70, %add3A_71 : i32
      %mul3A_73 = arith.constant 80 : i32
      %mul3A_74 = arith.muli %add3A_72, %mul3A_73 : i32
      %dma_wait3A_75 = tpu.memref_slice %arg7[%mul3A_74] : memref<10000xi32, #tpu.memory_space<vmem>> -> memref<80xi32, #tpu.memory_space<vmem>>
      %dma_wait3A_76 = arith.constant 0 : i32
      %dma_wait3A_77 = arith.constant 0 : i32
      %dma_wait3A_78 = tpu.memref_slice %arg4[%arg0, %dma_wait3A_76, %dma_wait3A_77] : memref<2x10000x128xf32, #tpu.memory_space<hbm>> -> memref<1x10000x128xf32, #tpu.memory_space<hbm>>
      %dma_wait3A_79 = tpu.memref_squeeze %dma_wait3A_78 : memref<1x10000x128xf32, #tpu.memory_space<hbm>> -> memref<10000x128xf32, #tpu.memory_space<hbm>>
      %dma_wait3A_80 = arith.constant 0 : i32
      %dma_wait3A_81 = arith.constant 0 : i32
      %dma_wait3A_82 = tpu.memref_slice %dma_wait3A_79[%dma_wait3A_80, %dma_wait3A_81] : memref<10000x128xf32, #tpu.memory_space<hbm>> -> memref<10000x128xf32, #tpu.memory_space<hbm>>
      tpu.wait_indirect_dma semaphore(%arg11 : memref<!tpu.dma_semaphore, #tpu.memory_space<semaphore_mem>>) src(%dma_wait3A_82 : memref<10000x128xf32, #tpu.memory_space<hbm>>) dst(%arg10 : memref<80x128xf32, #tpu.memory_space<vmem>>)
      %mul3A_83 = arith.constant 2 : i32
      %mul3A_84 = arith.muli %mul3A_83, %scan3A_29 : i32
      %add3A_85 = arith.constant 1 : i32
      %add3A_86 = arith.addi %mul3A_84, %add3A_85 : i32
      "tpu.region"() ({
        %run_scoped3A_87 = tpu.sem_alloc : memref<!tpu.dma_semaphore, #tpu.memory_space<semaphore_mem>>
        %dma_start3A_88 = arith.constant 0 : i32
        %dma_start3A_89 = tpu.memref_slice %arg8[%add3A_86, %dma_start3A_88] : memref<125x80xi32, #tpu.memory_space<vmem>> -> memref<1x80xi32, #tpu.memory_space<vmem>>
        %dma_start3A_90 = tpu.memref_squeeze %dma_start3A_89 : memref<1x80xi32, #tpu.memory_space<vmem>> -> memref<80xi32, #tpu.memory_space<vmem>>
        %dma_start3A_91 = arith.constant 0 : i32
        %dma_start3A_92 = arith.constant 0 : i32
        %dma_start3A_93 = tpu.memref_slice %arg12[%dma_start3A_91, %dma_start3A_92] : memref<10000x128xf32, #tpu.memory_space<vmem_shared>> -> memref<10000x128xf32, #tpu.memory_space<vmem_shared>>
        tpu.enqueue_indirect_dma source(%arg10 : memref<80x128xf32, #tpu.memory_space<vmem>>) target(%dma_start3A_93 : memref<10000x128xf32, #tpu.memory_space<vmem_shared>>) offsets(%dma_start3A_90 : memref<80xi32, #tpu.memory_space<vmem>>) semaphore(%run_scoped3A_87 : memref<!tpu.dma_semaphore, #tpu.memory_space<semaphore_mem>>) {add = true}
        %dma_wait3A_94 = arith.constant 0 : i32
        %dma_wait3A_95 = tpu.memref_slice %arg8[%add3A_86, %dma_wait3A_94] : memref<125x80xi32, #tpu.memory_space<vmem>> -> memref<1x80xi32, #tpu.memory_space<vmem>>
        %dma_wait3A_96 = tpu.memref_squeeze %dma_wait3A_95 : memref<1x80xi32, #tpu.memory_space<vmem>> -> memref<80xi32, #tpu.memory_space<vmem>>
        %dma_wait3A_97 = arith.constant 0 : i32
        %dma_wait3A_98 = arith.constant 0 : i32
        %dma_wait3A_99 = tpu.memref_slice %arg12[%dma_wait3A_97, %dma_wait3A_98] : memref<10000x128xf32, #tpu.memory_space<vmem_shared>> -> memref<10000x128xf32, #tpu.memory_space<vmem_shared>>
        tpu.wait_indirect_dma semaphore(%run_scoped3A_87 : memref<!tpu.dma_semaphore, #tpu.memory_space<semaphore_mem>>) src(%arg10 : memref<80x128xf32, #tpu.memory_space<vmem>>) dst(%dma_wait3A_99 : memref<10000x128xf32, #tpu.memory_space<vmem_shared>>)
        tpu.yield
      }) : () -> ()
    }
    %scan3A_10 = arith.constant 62 : i32
    %dma_start3A = arith.constant 9920 : i32
    %dma_start3A_11 = tpu.memref_slice %arg7[%dma_start3A] : memref<10000xi32, #tpu.memory_space<vmem>> -> memref<80xi32, #tpu.memory_space<vmem>>
    %dma_start3A_12 = arith.constant 0 : i32
    %dma_start3A_13 = arith.constant 0 : i32
    %dma_start3A_14 = tpu.memref_slice %arg4[%arg0, %dma_start3A_12, %dma_start3A_13] : memref<2x10000x128xf32, #tpu.memory_space<hbm>> -> memref<1x10000x128xf32, #tpu.memory_space<hbm>>
    %dma_start3A_15 = tpu.memref_squeeze %dma_start3A_14 : memref<1x10000x128xf32, #tpu.memory_space<hbm>> -> memref<10000x128xf32, #tpu.memory_space<hbm>>
    %dma_start3A_16 = arith.constant 0 : i32
    %dma_start3A_17 = arith.constant 0 : i32
    %dma_start3A_18 = tpu.memref_slice %dma_start3A_15[%dma_start3A_16, %dma_start3A_17] : memref<10000x128xf32, #tpu.memory_space<hbm>> -> memref<10000x128xf32, #tpu.memory_space<hbm>>
    tpu.enqueue_indirect_dma source(%dma_start3A_18 : memref<10000x128xf32, #tpu.memory_space<hbm>>) target(%arg9 : memref<80x128xf32, #tpu.memory_space<vmem>>) offsets(%dma_start3A_11 : memref<80xi32, #tpu.memory_space<vmem>>) semaphore(%arg11 : memref<!tpu.dma_semaphore, #tpu.memory_space<semaphore_mem>>)
    %dma_wait3A = arith.constant 9920 : i32
    %dma_wait3A_19 = tpu.memref_slice %arg7[%dma_wait3A] : memref<10000xi32, #tpu.memory_space<vmem>> -> memref<80xi32, #tpu.memory_space<vmem>>
    %dma_wait3A_20 = arith.constant 0 : i32
    %dma_wait3A_21 = arith.constant 0 : i32
    %dma_wait3A_22 = tpu.memref_slice %arg4[%arg0, %dma_wait3A_20, %dma_wait3A_21] : memref<2x10000x128xf32, #tpu.memory_space<hbm>> -> memref<1x10000x128xf32, #tpu.memory_space<hbm>>
    %dma_wait3A_23 = tpu.memref_squeeze %dma_wait3A_22 : memref<1x10000x128xf32, #tpu.memory_space<hbm>> -> memref<10000x128xf32, #tpu.memory_space<hbm>>
    %dma_wait3A_24 = arith.constant 0 : i32
    %dma_wait3A_25 = arith.constant 0 : i32
    %dma_wait3A_26 = tpu.memref_slice %dma_wait3A_23[%dma_wait3A_24, %dma_wait3A_25] : memref<10000x128xf32, #tpu.memory_space<hbm>> -> memref<10000x128xf32, #tpu.memory_space<hbm>>
    tpu.wait_indirect_dma semaphore(%arg11 : memref<!tpu.dma_semaphore, #tpu.memory_space<semaphore_mem>>) src(%dma_wait3A_26 : memref<10000x128xf32, #tpu.memory_space<hbm>>) dst(%arg9 : memref<80x128xf32, #tpu.memory_space<vmem>>)
    %run_scoped3A = arith.constant 124 : i32
    "tpu.region"() ({
      %run_scoped3A_29 = tpu.sem_alloc : memref<!tpu.dma_semaphore, #tpu.memory_space<semaphore_mem>>
      %dma_start3A_30 = arith.constant 0 : i32
      %dma_start3A_31 = tpu.memref_slice %arg8[%run_scoped3A, %dma_start3A_30] : memref<125x80xi32, #tpu.memory_space<vmem>> -> memref<1x80xi32, #tpu.memory_space<vmem>>
      %dma_start3A_32 = tpu.memref_squeeze %dma_start3A_31 : memref<1x80xi32, #tpu.memory_space<vmem>> -> memref<80xi32, #tpu.memory_space<vmem>>
      %dma_start3A_33 = arith.constant 0 : i32
      %dma_start3A_34 = arith.constant 0 : i32
      %dma_start3A_35 = tpu.memref_slice %arg12[%dma_start3A_33, %dma_start3A_34] : memref<10000x128xf32, #tpu.memory_space<vmem_shared>> -> memref<10000x128xf32, #tpu.memory_space<vmem_shared>>
      tpu.enqueue_indirect_dma source(%arg9 : memref<80x128xf32, #tpu.memory_space<vmem>>) target(%dma_start3A_35 : memref<10000x128xf32, #tpu.memory_space<vmem_shared>>) offsets(%dma_start3A_32 : memref<80xi32, #tpu.memory_space<vmem>>) semaphore(%run_scoped3A_29 : memref<!tpu.dma_semaphore, #tpu.memory_space<semaphore_mem>>) {add = true}
      %dma_wait3A_36 = arith.constant 0 : i32
      %dma_wait3A_37 = tpu.memref_slice %arg8[%run_scoped3A, %dma_wait3A_36] : memref<125x80xi32, #tpu.memory_space<vmem>> -> memref<1x80xi32, #tpu.memory_space<vmem>>
      %dma_wait3A_38 = tpu.memref_squeeze %dma_wait3A_37 : memref<1x80xi32, #tpu.memory_space<vmem>> -> memref<80xi32, #tpu.memory_space<vmem>>
      %dma_wait3A_39 = arith.constant 0 : i32
      %dma_wait3A_40 = arith.constant 0 : i32
      %dma_wait3A_41 = tpu.memref_slice %arg12[%dma_wait3A_39, %dma_wait3A_40] : memref<10000x128xf32, #tpu.memory_space<vmem_shared>> -> memref<10000x128xf32, #tpu.memory_space<vmem_shared>>
      tpu.wait_indirect_dma semaphore(%run_scoped3A_29 : memref<!tpu.dma_semaphore, #tpu.memory_space<semaphore_mem>>) src(%arg9 : memref<80x128xf32, #tpu.memory_space<vmem>>) dst(%dma_wait3A_41 : memref<10000x128xf32, #tpu.memory_space<vmem_shared>>)
      tpu.yield
    }) : () -> ()
    %barrier3A_27 = arith.constant 0 : index
    tpu.barrier barrier_id(%barrier3A_27)
    %mul3A = arith.constant 625 : i32
    %mul3A_28 = arith.muli %arg1, %mul3A : i32
    "tpu.region"() ({
      %run_scoped3A_29 = tpu.sem_alloc : memref<!tpu.dma_semaphore, #tpu.memory_space<semaphore_mem>>
      %dma_start3A_30 = arith.constant 0 : i32
      %dma_start3A_31 = arith.constant 0 : i32
      %dma_start3A_32 = tpu.memref_slice %arg6[%arg0, %arg1, %dma_start3A_30, %dma_start3A_31] : memref<2x16x625x128xf32, #tpu.memory_space<hbm>> -> memref<1x1x625x128xf32, #tpu.memory_space<hbm>>
      %dma_start3A_33 = tpu.memref_squeeze %dma_start3A_32 : memref<1x1x625x128xf32, #tpu.memory_space<hbm>> -> memref<625x128xf32, #tpu.memory_space<hbm>>
      %dma_start3A_34 = arith.constant 0 : i32
      %dma_start3A_35 = tpu.memref_slice %arg12[%mul3A_28, %dma_start3A_34] : memref<10000x128xf32, #tpu.memory_space<vmem_shared>> -> memref<625x128xf32, #tpu.memory_space<vmem_shared>>
      tpu.enqueue_dma source(%dma_start3A_35 : memref<625x128xf32, #tpu.memory_space<vmem_shared>>) target(%dma_start3A_33 : memref<625x128xf32, #tpu.memory_space<hbm>>) target_semaphore(%run_scoped3A_29 : memref<!tpu.dma_semaphore, #tpu.memory_space<semaphore_mem>>)
      %dma_wait3A_36 = arith.constant 0 : i32
      %dma_wait3A_37 = arith.constant 0 : i32
      %dma_wait3A_38 = tpu.memref_slice %arg6[%arg0, %arg1, %dma_wait3A_36, %dma_wait3A_37] : memref<2x16x625x128xf32, #tpu.memory_space<hbm>> -> memref<1x1x625x128xf32, #tpu.memory_space<hbm>>
      %dma_wait3A_39 = tpu.memref_squeeze %dma_wait3A_38 : memref<1x1x625x128xf32, #tpu.memory_space<hbm>> -> memref<625x128xf32, #tpu.memory_space<hbm>>
      %dma_wait3A_40 = arith.constant 0 : i32
      %dma_wait3A_41 = tpu.memref_slice %arg12[%mul3A_28, %dma_wait3A_40] : memref<10000x128xf32, #tpu.memory_space<vmem_shared>> -> memref<625x128xf32, #tpu.memory_space<vmem_shared>>
      tpu.wait_dma2 semaphore(%run_scoped3A_29 : memref<!tpu.dma_semaphore, #tpu.memory_space<semaphore_mem>>) src(%dma_wait3A_41 : memref<625x128xf32, #tpu.memory_space<vmem_shared>>) dst(%dma_wait3A_39 : memref<625x128xf32, #tpu.memory_space<hbm>>)
      tpu.yield
    }) : () -> ()
    return
  }
}

#map = affine_map<(d0, d1) -> (0, 0, 0, 0)>
#map1 = affine_map<(d0, d1) -> (0, 0)>
module attributes {stable_mosaic.version = 14 : i64} {
  func.func @_deg_body(%arg0: i32, %arg1: i32, %arg2: memref<2x16x125x80xi32, #tpu.memory_space<hbm>>, %arg3: memref<80x8xf32, #tpu.memory_space<hbm>>, %arg4: memref<625x8xf32, #tpu.memory_space<hbm>>, %arg5: memref<2x16x625x8xf32, #tpu.memory_space<hbm>>, %arg6: memref<125x80xi32, #tpu.memory_space<vmem>>, %arg7: memref<80x8xf32, #tpu.memory_space<vmem>>, %arg8: memref<!tpu.dma_semaphore, #tpu.memory_space<semaphore_mem>>, %arg9: memref<10000x8xf32, #tpu.memory_space<vmem_shared>>) attributes {dimension_semantics = [#tpu.dimension_semantics<core_parallel>, #tpu.dimension_semantics<subcore_parallel>], iteration_bounds = array<i64: 2, 16>, scalar_prefetch = 0 : i64, scratch_operands = 4 : i64, tpu.core_type = #tpu.core_type<sc_vector_subcore>, window_params = [{transform_indices = #map}, {transform_indices = #map1}, {transform_indices = #map1}, {transform_indices = #map}]} {
    %mul3A = arith.constant 625 : i32
    %mul3A_0 = arith.muli %arg1, %mul3A : i32
    "tpu.region"() ({
      %run_scoped3A_10 = tpu.sem_alloc : memref<!tpu.dma_semaphore, #tpu.memory_space<semaphore_mem>>
      %dma_start3A = arith.constant 0 : i32
      %dma_start3A_11 = tpu.memref_slice %arg9[%mul3A_0, %dma_start3A] : memref<10000x8xf32, #tpu.memory_space<vmem_shared>> -> memref<625x8xf32, #tpu.memory_space<vmem_shared>>
      tpu.enqueue_dma source(%arg4 : memref<625x8xf32, #tpu.memory_space<hbm>>) target(%dma_start3A_11 : memref<625x8xf32, #tpu.memory_space<vmem_shared>>) target_semaphore(%run_scoped3A_10 : memref<!tpu.dma_semaphore, #tpu.memory_space<semaphore_mem>>)
      %dma_wait3A = arith.constant 0 : i32
      %dma_wait3A_12 = tpu.memref_slice %arg9[%mul3A_0, %dma_wait3A] : memref<10000x8xf32, #tpu.memory_space<vmem_shared>> -> memref<625x8xf32, #tpu.memory_space<vmem_shared>>
      tpu.wait_dma2 semaphore(%run_scoped3A_10 : memref<!tpu.dma_semaphore, #tpu.memory_space<semaphore_mem>>) src(%arg4 : memref<625x8xf32, #tpu.memory_space<hbm>>) dst(%dma_wait3A_12 : memref<625x8xf32, #tpu.memory_space<vmem_shared>>)
      tpu.yield
    }) : () -> ()
    "tpu.region"() ({
      %run_scoped3A_10 = tpu.sem_alloc : memref<!tpu.dma_semaphore, #tpu.memory_space<semaphore_mem>>
      tpu.enqueue_dma source(%arg3 : memref<80x8xf32, #tpu.memory_space<hbm>>) target(%arg7 : memref<80x8xf32, #tpu.memory_space<vmem>>) target_semaphore(%run_scoped3A_10 : memref<!tpu.dma_semaphore, #tpu.memory_space<semaphore_mem>>)
      tpu.wait_dma2 semaphore(%run_scoped3A_10 : memref<!tpu.dma_semaphore, #tpu.memory_space<semaphore_mem>>) src(%arg3 : memref<80x8xf32, #tpu.memory_space<hbm>>) dst(%arg7 : memref<80x8xf32, #tpu.memory_space<vmem>>)
      tpu.yield
    }) : () -> ()
    %sub3A = arith.constant 1 : i32
    %sub3A_1 = arith.subi %sub3A, %arg0 : i32
    "tpu.region"() ({
      %run_scoped3A_10 = tpu.sem_alloc : memref<!tpu.dma_semaphore, #tpu.memory_space<semaphore_mem>>
      %dma_start3A = arith.constant 0 : i32
      %dma_start3A_11 = arith.constant 0 : i32
      %dma_start3A_12 = tpu.memref_slice %arg2[%sub3A_1, %arg1, %dma_start3A, %dma_start3A_11] : memref<2x16x125x80xi32, #tpu.memory_space<hbm>> -> memref<1x1x125x80xi32, #tpu.memory_space<hbm>>
      %dma_start3A_13 = tpu.memref_squeeze %dma_start3A_12 : memref<1x1x125x80xi32, #tpu.memory_space<hbm>> -> memref<125x80xi32, #tpu.memory_space<hbm>>
      %dma_start3A_14 = arith.constant 0 : i32
      %dma_start3A_15 = arith.constant 0 : i32
      %dma_start3A_16 = tpu.memref_slice %arg2[%sub3A_1, %arg1, %dma_start3A_14, %dma_start3A_15] : memref<2x16x125x80xi32, #tpu.memory_space<hbm>> -> memref<1x1x125x80xi32, #tpu.memory_space<hbm>>
      %dma_start3A_17 = tpu.memref_squeeze %dma_start3A_16 : memref<1x1x125x80xi32, #tpu.memory_space<hbm>> -> memref<125x80xi32, #tpu.memory_space<hbm>>
      tpu.enqueue_dma source(%dma_start3A_17 : memref<125x80xi32, #tpu.memory_space<hbm>>) target(%arg6 : memref<125x80xi32, #tpu.memory_space<vmem>>) target_semaphore(%run_scoped3A_10 : memref<!tpu.dma_semaphore, #tpu.memory_space<semaphore_mem>>)
      %dma_wait3A = arith.constant 0 : i32
      %dma_wait3A_18 = arith.constant 0 : i32
      %dma_wait3A_19 = tpu.memref_slice %arg2[%sub3A_1, %arg1, %dma_wait3A, %dma_wait3A_18] : memref<2x16x125x80xi32, #tpu.memory_space<hbm>> -> memref<1x1x125x80xi32, #tpu.memory_space<hbm>>
      %dma_wait3A_20 = tpu.memref_squeeze %dma_wait3A_19 : memref<1x1x125x80xi32, #tpu.memory_space<hbm>> -> memref<125x80xi32, #tpu.memory_space<hbm>>
      %dma_wait3A_21 = arith.constant 0 : i32
      %dma_wait3A_22 = arith.constant 0 : i32
      %dma_wait3A_23 = tpu.memref_slice %arg2[%sub3A_1, %arg1, %dma_wait3A_21, %dma_wait3A_22] : memref<2x16x125x80xi32, #tpu.memory_space<hbm>> -> memref<1x1x125x80xi32, #tpu.memory_space<hbm>>
      %dma_wait3A_24 = tpu.memref_squeeze %dma_wait3A_23 : memref<1x1x125x80xi32, #tpu.memory_space<hbm>> -> memref<125x80xi32, #tpu.memory_space<hbm>>
      tpu.wait_dma2 semaphore(%run_scoped3A_10 : memref<!tpu.dma_semaphore, #tpu.memory_space<semaphore_mem>>) src(%dma_wait3A_24 : memref<125x80xi32, #tpu.memory_space<hbm>>) dst(%arg6 : memref<125x80xi32, #tpu.memory_space<vmem>>)
      tpu.yield
    }) : () -> ()
    %barrier3A = arith.constant 0 : index
    tpu.barrier barrier_id(%barrier3A)
    %scan3A = arith.constant 0 : i32
    %scan3A_2 = arith.constant 0 : i32
    %scan3A_3 = arith.constant 62 : i32
    %scan3A_4 = arith.addi %scan3A_2, %scan3A_3 : i32
    %scan3A_5 = arith.constant 1 : i32
    scf.for %scan3A_10 = %scan3A_2 to %scan3A_4 step %scan3A_5  : i32 {
      %mul3A_11 = arith.constant 2 : i32
      %mul3A_12 = arith.muli %mul3A_11, %scan3A_10 : i32
      %dma_start3A = arith.constant 0 : i32
      %dma_start3A_13 = tpu.memref_slice %arg6[%mul3A_12, %dma_start3A] : memref<125x80xi32, #tpu.memory_space<vmem>> -> memref<1x80xi32, #tpu.memory_space<vmem>>
      %dma_start3A_14 = tpu.memref_squeeze %dma_start3A_13 : memref<1x80xi32, #tpu.memory_space<vmem>> -> memref<80xi32, #tpu.memory_space<vmem>>
      %dma_start3A_15 = arith.constant 0 : i32
      %dma_start3A_16 = arith.constant 0 : i32
      %dma_start3A_17 = tpu.memref_slice %arg9[%dma_start3A_15, %dma_start3A_16] : memref<10000x8xf32, #tpu.memory_space<vmem_shared>> -> memref<10000x8xf32, #tpu.memory_space<vmem_shared>>
      tpu.enqueue_indirect_dma source(%arg7 : memref<80x8xf32, #tpu.memory_space<vmem>>) target(%dma_start3A_17 : memref<10000x8xf32, #tpu.memory_space<vmem_shared>>) offsets(%dma_start3A_14 : memref<80xi32, #tpu.memory_space<vmem>>) semaphore(%arg8 : memref<!tpu.dma_semaphore, #tpu.memory_space<semaphore_mem>>) {add = true}
      %mul3A_18 = arith.constant 2 : i32
      %mul3A_19 = arith.muli %mul3A_18, %scan3A_10 : i32
      %add3A = arith.constant 1 : i32
      %add3A_20 = arith.addi %mul3A_19, %add3A : i32
      %dma_start3A_21 = arith.constant 0 : i32
      %dma_start3A_22 = tpu.memref_slice %arg6[%add3A_20, %dma_start3A_21] : memref<125x80xi32, #tpu.memory_space<vmem>> -> memref<1x80xi32, #tpu.memory_space<vmem>>
      %dma_start3A_23 = tpu.memref_squeeze %dma_start3A_22 : memref<1x80xi32, #tpu.memory_space<vmem>> -> memref<80xi32, #tpu.memory_space<vmem>>
      %dma_start3A_24 = arith.constant 0 : i32
      %dma_start3A_25 = arith.constant 0 : i32
      %dma_start3A_26 = tpu.memref_slice %arg9[%dma_start3A_24, %dma_start3A_25] : memref<10000x8xf32, #tpu.memory_space<vmem_shared>> -> memref<10000x8xf32, #tpu.memory_space<vmem_shared>>
      tpu.enqueue_indirect_dma source(%arg7 : memref<80x8xf32, #tpu.memory_space<vmem>>) target(%dma_start3A_26 : memref<10000x8xf32, #tpu.memory_space<vmem_shared>>) offsets(%dma_start3A_23 : memref<80xi32, #tpu.memory_space<vmem>>) semaphore(%arg8 : memref<!tpu.dma_semaphore, #tpu.memory_space<semaphore_mem>>) {add = true}
      %mul3A_27 = arith.constant 2 : i32
      %mul3A_28 = arith.muli %mul3A_27, %scan3A_10 : i32
      %dma_wait3A = arith.constant 0 : i32
      %dma_wait3A_29 = tpu.memref_slice %arg6[%mul3A_28, %dma_wait3A] : memref<125x80xi32, #tpu.memory_space<vmem>> -> memref<1x80xi32, #tpu.memory_space<vmem>>
      %dma_wait3A_30 = tpu.memref_squeeze %dma_wait3A_29 : memref<1x80xi32, #tpu.memory_space<vmem>> -> memref<80xi32, #tpu.memory_space<vmem>>
      %dma_wait3A_31 = arith.constant 0 : i32
      %dma_wait3A_32 = arith.constant 0 : i32
      %dma_wait3A_33 = tpu.memref_slice %arg9[%dma_wait3A_31, %dma_wait3A_32] : memref<10000x8xf32, #tpu.memory_space<vmem_shared>> -> memref<10000x8xf32, #tpu.memory_space<vmem_shared>>
      tpu.wait_indirect_dma semaphore(%arg8 : memref<!tpu.dma_semaphore, #tpu.memory_space<semaphore_mem>>) src(%arg7 : memref<80x8xf32, #tpu.memory_space<vmem>>) dst(%dma_wait3A_33 : memref<10000x8xf32, #tpu.memory_space<vmem_shared>>)
      %mul3A_34 = arith.constant 2 : i32
      %mul3A_35 = arith.muli %mul3A_34, %scan3A_10 : i32
      %add3A_36 = arith.constant 1 : i32
      %add3A_37 = arith.addi %mul3A_35, %add3A_36 : i32
      %dma_wait3A_38 = arith.constant 0 : i32
      %dma_wait3A_39 = tpu.memref_slice %arg6[%add3A_37, %dma_wait3A_38] : memref<125x80xi32, #tpu.memory_space<vmem>> -> memref<1x80xi32, #tpu.memory_space<vmem>>
      %dma_wait3A_40 = tpu.memref_squeeze %dma_wait3A_39 : memref<1x80xi32, #tpu.memory_space<vmem>> -> memref<80xi32, #tpu.memory_space<vmem>>
      %dma_wait3A_41 = arith.constant 0 : i32
      %dma_wait3A_42 = arith.constant 0 : i32
      %dma_wait3A_43 = tpu.memref_slice %arg9[%dma_wait3A_41, %dma_wait3A_42] : memref<10000x8xf32, #tpu.memory_space<vmem_shared>> -> memref<10000x8xf32, #tpu.memory_space<vmem_shared>>
      tpu.wait_indirect_dma semaphore(%arg8 : memref<!tpu.dma_semaphore, #tpu.memory_space<semaphore_mem>>) src(%arg7 : memref<80x8xf32, #tpu.memory_space<vmem>>) dst(%dma_wait3A_43 : memref<10000x8xf32, #tpu.memory_space<vmem_shared>>)
    }
    %scan3A_6 = arith.constant 62 : i32
    %run_scoped3A = arith.constant 124 : i32
    "tpu.region"() ({
      %run_scoped3A_10 = tpu.sem_alloc : memref<!tpu.dma_semaphore, #tpu.memory_space<semaphore_mem>>
      %dma_start3A = arith.constant 0 : i32
      %dma_start3A_11 = tpu.memref_slice %arg6[%run_scoped3A, %dma_start3A] : memref<125x80xi32, #tpu.memory_space<vmem>> -> memref<1x80xi32, #tpu.memory_space<vmem>>
      %dma_start3A_12 = tpu.memref_squeeze %dma_start3A_11 : memref<1x80xi32, #tpu.memory_space<vmem>> -> memref<80xi32, #tpu.memory_space<vmem>>
      %dma_start3A_13 = arith.constant 0 : i32
      %dma_start3A_14 = arith.constant 0 : i32
      %dma_start3A_15 = tpu.memref_slice %arg9[%dma_start3A_13, %dma_start3A_14] : memref<10000x8xf32, #tpu.memory_space<vmem_shared>> -> memref<10000x8xf32, #tpu.memory_space<vmem_shared>>
      tpu.enqueue_indirect_dma source(%arg7 : memref<80x8xf32, #tpu.memory_space<vmem>>) target(%dma_start3A_15 : memref<10000x8xf32, #tpu.memory_space<vmem_shared>>) offsets(%dma_start3A_12 : memref<80xi32, #tpu.memory_space<vmem>>) semaphore(%run_scoped3A_10 : memref<!tpu.dma_semaphore, #tpu.memory_space<semaphore_mem>>) {add = true}
      %dma_wait3A = arith.constant 0 : i32
      %dma_wait3A_16 = tpu.memref_slice %arg6[%run_scoped3A, %dma_wait3A] : memref<125x80xi32, #tpu.memory_space<vmem>> -> memref<1x80xi32, #tpu.memory_space<vmem>>
      %dma_wait3A_17 = tpu.memref_squeeze %dma_wait3A_16 : memref<1x80xi32, #tpu.memory_space<vmem>> -> memref<80xi32, #tpu.memory_space<vmem>>
      %dma_wait3A_18 = arith.constant 0 : i32
      %dma_wait3A_19 = arith.constant 0 : i32
      %dma_wait3A_20 = tpu.memref_slice %arg9[%dma_wait3A_18, %dma_wait3A_19] : memref<10000x8xf32, #tpu.memory_space<vmem_shared>> -> memref<10000x8xf32, #tpu.memory_space<vmem_shared>>
      tpu.wait_indirect_dma semaphore(%run_scoped3A_10 : memref<!tpu.dma_semaphore, #tpu.memory_space<semaphore_mem>>) src(%arg7 : memref<80x8xf32, #tpu.memory_space<vmem>>) dst(%dma_wait3A_20 : memref<10000x8xf32, #tpu.memory_space<vmem_shared>>)
      tpu.yield
    }) : () -> ()
    %barrier3A_7 = arith.constant 0 : index
    tpu.barrier barrier_id(%barrier3A_7)
    %mul3A_8 = arith.constant 625 : i32
    %mul3A_9 = arith.muli %arg1, %mul3A_8 : i32
    "tpu.region"() ({
      %run_scoped3A_10 = tpu.sem_alloc : memref<!tpu.dma_semaphore, #tpu.memory_space<semaphore_mem>>
      %dma_start3A = arith.constant 0 : i32
      %dma_start3A_11 = arith.constant 0 : i32
      %dma_start3A_12 = tpu.memref_slice %arg5[%arg0, %arg1, %dma_start3A, %dma_start3A_11] : memref<2x16x625x8xf32, #tpu.memory_space<hbm>> -> memref<1x1x625x8xf32, #tpu.memory_space<hbm>>
      %dma_start3A_13 = tpu.memref_squeeze %dma_start3A_12 : memref<1x1x625x8xf32, #tpu.memory_space<hbm>> -> memref<625x8xf32, #tpu.memory_space<hbm>>
      %dma_start3A_14 = arith.constant 0 : i32
      %dma_start3A_15 = tpu.memref_slice %arg9[%mul3A_9, %dma_start3A_14] : memref<10000x8xf32, #tpu.memory_space<vmem_shared>> -> memref<625x8xf32, #tpu.memory_space<vmem_shared>>
      tpu.enqueue_dma source(%dma_start3A_15 : memref<625x8xf32, #tpu.memory_space<vmem_shared>>) target(%dma_start3A_13 : memref<625x8xf32, #tpu.memory_space<hbm>>) target_semaphore(%run_scoped3A_10 : memref<!tpu.dma_semaphore, #tpu.memory_space<semaphore_mem>>)
      %dma_wait3A = arith.constant 0 : i32
      %dma_wait3A_16 = arith.constant 0 : i32
      %dma_wait3A_17 = tpu.memref_slice %arg5[%arg0, %arg1, %dma_wait3A, %dma_wait3A_16] : memref<2x16x625x8xf32, #tpu.memory_space<hbm>> -> memref<1x1x625x8xf32, #tpu.memory_space<hbm>>
      %dma_wait3A_18 = tpu.memref_squeeze %dma_wait3A_17 : memref<1x1x625x8xf32, #tpu.memory_space<hbm>> -> memref<625x8xf32, #tpu.memory_space<hbm>>
      %dma_wait3A_19 = arith.constant 0 : i32
      %dma_wait3A_20 = tpu.memref_slice %arg9[%mul3A_9, %dma_wait3A_19] : memref<10000x8xf32, #tpu.memory_space<vmem_shared>> -> memref<625x8xf32, #tpu.memory_space<vmem_shared>>
      tpu.wait_dma2 semaphore(%run_scoped3A_10 : memref<!tpu.dma_semaphore, #tpu.memory_space<semaphore_mem>>) src(%dma_wait3A_20 : memref<625x8xf32, #tpu.memory_space<vmem_shared>>) dst(%dma_wait3A_18 : memref<625x8xf32, #tpu.memory_space<hbm>>)
      tpu.yield
    }) : () -> ()
    return
  }
}

module attributes {stable_mosaic.version = 14 : i64} {
  func.func @_prescale_body(%arg0: i32, %arg1: memref<1000x256xf32, #tpu.memory_space<vmem>>, %arg2: memref<1000x1xf32, #tpu.memory_space<vmem>>, %arg3: memref<2x1000x128xf32, #tpu.memory_space<vmem>>) attributes {dimension_semantics = [#tpu.dimension_semantics<arbitrary>], iteration_bounds = array<i64: 10>, scalar_prefetch = 0 : i64, scratch_operands = 0 : i64, tpu.core_type = #tpu.core_type<tc>, window_params = [{transform_indices = @transform_0, window_bounds = array<i64: 1000, 256>}, {transform_indices = @transform_1, window_bounds = array<i64: 1000, 1>}, {transform_indices = @transform_2, window_bounds = array<i64: 2, 1000, 128>}]} {
    %get3A = arith.constant 0 : index
    %get3A_0 = arith.constant 0 : index
    %get3A_1 = vector.load %arg2[%get3A, %get3A_0] : memref<1000x1xf32, #tpu.memory_space<vmem>>, vector<1000x1xf32>
    %rsqrt3A = math.rsqrt %get3A_1 : vector<1000x1xf32>
    %get3A_2 = arith.constant 0 : index
    %get3A_3 = arith.constant 0 : index
    %get3A_4 = vector.load %arg1[%get3A_2, %get3A_3] : memref<1000x256xf32, #tpu.memory_space<vmem>>, vector<1000x256xf32>
    %mul3A = vector.broadcast %rsqrt3A : vector<1000x1xf32> to vector<1000x256xf32>
    %mul3A_5 = arith.mulf %get3A_4, %mul3A : vector<1000x256xf32>
    %slice3A = vector.extract_strided_slice %mul3A_5 {offsets = [0, 0], sizes = [1000, 128], strides = [1, 1]} : vector<1000x256xf32> to vector<1000x128xf32>
    %swap3A = arith.constant 0 : index
    %swap3A_6 = arith.constant 0 : index
    %swap3A_7 = arith.constant 0 : index
    %swap3A_8 = vector.load %arg3[%swap3A, %swap3A_6, %swap3A_7] : memref<2x1000x128xf32, #tpu.memory_space<vmem>>, vector<1x1000x128xf32>
    %swap3A_9 = vector.shape_cast %swap3A_8 : vector<1x1000x128xf32> to vector<1000x128xf32>
    %swap3A_10 = vector.shape_cast %slice3A : vector<1000x128xf32> to vector<1x1000x128xf32>
    tpu.vector_store %arg3[%swap3A, %swap3A_6, %swap3A_7], %swap3A_10 {strides = array<i32>} : memref<2x1000x128xf32, #tpu.memory_space<vmem>>, vector<1x1000x128xf32>,
    %slice3A_11 = vector.extract_strided_slice %mul3A_5 {offsets = [0, 128], sizes = [1000, 128], strides = [1, 1]} : vector<1000x256xf32> to vector<1000x128xf32>
    %swap3A_12 = arith.constant 1 : index
    %swap3A_13 = arith.constant 0 : index
    %swap3A_14 = arith.constant 0 : index
    %swap3A_15 = vector.load %arg3[%swap3A_12, %swap3A_13, %swap3A_14] : memref<2x1000x128xf32, #tpu.memory_space<vmem>>, vector<1x1000x128xf32>
    %swap3A_16 = vector.shape_cast %swap3A_15 : vector<1x1000x128xf32> to vector<1000x128xf32>
    %swap3A_17 = vector.shape_cast %slice3A_11 : vector<1000x128xf32> to vector<1x1000x128xf32>
    tpu.vector_store %arg3[%swap3A_12, %swap3A_13, %swap3A_14], %swap3A_17 {strides = array<i32>} : memref<2x1000x128xf32, #tpu.memory_space<vmem>>, vector<1x1000x128xf32>,
    return
  }
  func.func @transform_0(%arg0: i32) -> (i32, i32) {
    %c0_i32 = arith.constant 0 : i32
    %c0_i32_0 = arith.constant 0 : i32
    return %arg0, %c0_i32 : i32, i32
  }
  func.func @transform_1(%arg0: i32) -> (i32, i32) {
    %c0_i32 = arith.constant 0 : i32
    %c0_i32_0 = arith.constant 0 : i32
    return %arg0, %c0_i32 : i32, i32
  }
  func.func @transform_2(%arg0: i32) -> (i32, i32, i32) {
    %c0_i32 = arith.constant 0 : i32
    %c0_i32_0 = arith.constant 0 : i32
    %c0_i32_1 = arith.constant 0 : i32
    return %c0_i32, %arg0, %c0_i32_0 : i32, i32, i32
  }
}

module attributes {stable_mosaic.version = 14 : i64} {
  func.func @_matmul_body(%arg0: i32, %arg1: memref<2x1000x128xf32, #tpu.memory_space<vmem>>, %arg2: memref<1000x1xf32, #tpu.memory_space<vmem>>, %arg3: memref<256x512xf32, #tpu.memory_space<vmem>>, %arg4: memref<1x512xf32, #tpu.memory_space<vmem>>, %arg5: memref<1000x512xf32, #tpu.memory_space<vmem>>) attributes {dimension_semantics = [#tpu.dimension_semantics<arbitrary>], iteration_bounds = array<i64: 10>, scalar_prefetch = 0 : i64, scratch_operands = 0 : i64, tpu.core_type = #tpu.core_type<tc>, window_params = [{transform_indices = @transform_0, window_bounds = array<i64: 2, 1000, 128>}, {transform_indices = @transform_1, window_bounds = array<i64: 1000, 1>}, {pipeline_mode = #tpu.pipeline_mode<synchronous>, transform_indices = @transform_2, window_bounds = array<i64: 256, 512>}, {pipeline_mode = #tpu.pipeline_mode<synchronous>, transform_indices = @transform_3, window_bounds = array<i64: 1, 512>}, {transform_indices = @transform_4, window_bounds = array<i64: 1000, 512>}]} {
    %get3A = arith.constant 0 : index
    %get3A_0 = arith.constant 0 : index
    %get3A_1 = arith.constant 0 : index
    %get3A_2 = vector.load %arg1[%get3A, %get3A_0, %get3A_1] : memref<2x1000x128xf32, #tpu.memory_space<vmem>>, vector<1x1000x128xf32>
    %get3A_3 = vector.shape_cast %get3A_2 : vector<1x1000x128xf32> to vector<1000x128xf32>
    %get3A_4 = arith.constant 1 : index
    %get3A_5 = arith.constant 0 : index
    %get3A_6 = arith.constant 0 : index
    %get3A_7 = vector.load %arg1[%get3A_4, %get3A_5, %get3A_6] : memref<2x1000x128xf32, #tpu.memory_space<vmem>>, vector<1x1000x128xf32>
    %get3A_8 = vector.shape_cast %get3A_7 : vector<1x1000x128xf32> to vector<1000x128xf32>
    %concatenate3A = tpu.concatenate %get3A_3, %get3A_8 in 1 : vector<1000x128xf32>, vector<1000x128xf32> -> vector<1000x256xf32>
    %get3A_9 = arith.constant 0 : index
    %get3A_10 = arith.constant 0 : index
    %get3A_11 = vector.load %arg2[%get3A_9, %get3A_10] : memref<1000x1xf32, #tpu.memory_space<vmem>>, vector<1000x1xf32>
    %rsqrt3A = math.rsqrt %get3A_11 : vector<1000x1xf32>
    %mul3A = vector.broadcast %rsqrt3A : vector<1000x1xf32> to vector<1000x256xf32>
    %mul3A_12 = arith.mulf %concatenate3A, %mul3A : vector<1000x256xf32>
    %get3A_13 = arith.constant 0 : index
    %get3A_14 = arith.constant 0 : index
    %get3A_15 = vector.load %arg3[%get3A_13, %get3A_14] : memref<256x512xf32, #tpu.memory_space<vmem>>, vector<256x512xf32>
    %dot_general3A = arith.constant dense<0.000000e+00> : vector<1000x512xf32>
    %dot_general3A_16 = tpu.matmul %mul3A_12, %get3A_15, %dot_general3A {dimension_numbers = #tpu.dot_dimension_numbers<[1], [0], [0], [1], [0, 0, 1, 1], [], []>, transpose_lhs_hint = false} : vector<1000x256xf32>, vector<256x512xf32>, vector<1000x512xf32> -> vector<1000x512xf32>
    %get3A_17 = arith.constant 0 : index
    %get3A_18 = arith.constant 0 : index
    %get3A_19 = vector.load %arg4[%get3A_17, %get3A_18] : memref<1x512xf32, #tpu.memory_space<vmem>>, vector<1x512xf32>
    %add3A = vector.broadcast %get3A_19 : vector<1x512xf32> to vector<1000x512xf32>
    %add3A_20 = arith.addf %dot_general3A_16, %add3A : vector<1000x512xf32>
    %swap3A = arith.constant 0 : index
    %swap3A_21 = arith.constant 0 : index
    %swap3A_22 = vector.load %arg5[%swap3A, %swap3A_21] : memref<1000x512xf32, #tpu.memory_space<vmem>>, vector<1000x512xf32>
    tpu.vector_store %arg5[%swap3A, %swap3A_21], %add3A_20 {strides = array<i32>} : memref<1000x512xf32, #tpu.memory_space<vmem>>, vector<1000x512xf32>,
    return
  }
  func.func @transform_0(%arg0: i32) -> (i32, i32, i32) {
    %c0_i32 = arith.constant 0 : i32
    %c0_i32_0 = arith.constant 0 : i32
    %c0_i32_1 = arith.constant 0 : i32
    return %c0_i32, %arg0, %c0_i32_0 : i32, i32, i32
  }
  func.func @transform_1(%arg0: i32) -> (i32, i32) {
    %c0_i32 = arith.constant 0 : i32
    %c0_i32_0 = arith.constant 0 : i32
    return %arg0, %c0_i32 : i32, i32
  }
  func.func @transform_2(%arg0: i32) -> (i32, i32) {
    %c0_i32 = arith.constant 0 : i32
    %c0_i32_0 = arith.constant 0 : i32
    %c0_i32_1 = arith.constant 0 : i32
    return %c0_i32, %c0_i32_0 : i32, i32
  }
  func.func @transform_3(%arg0: i32) -> (i32, i32) {
    %c0_i32 = arith.constant 0 : i32
    %c0_i32_0 = arith.constant 0 : i32
    %c0_i32_1 = arith.constant 0 : i32
    return %c0_i32, %c0_i32_0 : i32, i32
  }
  func.func @transform_4(%arg0: i32) -> (i32, i32) {
    %c0_i32 = arith.constant 0 : i32
    %c0_i32_0 = arith.constant 0 : i32
    return %arg0, %c0_i32 : i32, i32
  }
}

</mosaic_0001>

<sc_bundles>
// kernel: kernel.6.cloned.1.call-start
scs
__scs_entry_jumppad:
0x0: {  	(pc) =	sbr.rel $0x88, $3  }
0x1: {  	(tag) =	ssettag $0x0;
	lr =	simm.s32 $0x1  }
0x2: {  	[smem:$0x3F9D] =	sst lr;
	_ =	strace $0xD0000000  }
0x3: {  	_ = 	snop  }
0x4: {  	_ = 	snop  }
0x5: {  	_ = 	snop  }
0x6: {  	_ = 	snop  }
0x7: {  	_ = 	snop  }
__scs_overlays_trampoline_lowered:
0x8: {  	[smem:$0x3FAC] =	sst s0  }
0x9: {  	[smem:$0x3FAD] =	sst s1  }
0xa: {  	[smem:$0x3FAE] =	sst s2  }
0xb: {  	[smem:$0x3FAF] =	sst s3  }
0xc: {  	[smem:$0x3FB0] =	sst s4  }
0xd: {  	[smem:$0x3FB1] =	sst s5  }
0xe: {  	[smem:$0x3FB2] =	sst s6  }
0xf: {  	[smem:$0x3FB3] =	sst s7  }
0x10: {  	[smem:$0x3FB4] =	sst s8  }
0x11: {  	[smem:$0x3FB5] =	sst s9;
	s0 =	simm.s32 @!p0 $0x0  }
0x12: {  	s1 =	sld [smem:$0x3F9B];
	s0 =	simm.s32 @p0 $0x1  }
0x13: {  	[smem:$0x3FB6] =	sst s0;
	s0 =	simm.s32 @!p1 $0x0  }
0x14: {  	s2 =	sld [smem:$0x3F9A];
	s0 =	simm.s32 @p1 $0x1  }
0x15: {  	[smem:$0x3FB7] =	sst s0;
	s0 =	simm.s32 @!p2 $0x0  }
0x16: {  	s3 =	sld [smem:$0x3FDB];
	s0 =	simm.s32 @p2 $0x1  }
0x17: {  	s4 =	simm.s32 $0x1BF5;
	[smem:$0x3FB9] =	sst s0  }
0x18: {  	s0 =	sld [smem:$0x3F9C];
	_ =	swait.ge [sflag:s4], $0x0  }
0x19: {  	s7 =	sld [smem:$0x3F9D]  }
0x1a: {  	s8 =	sadd.s32 $0xFFFFE003, lr  }
0x1b: {  	s9 =	sadd.s32 $0xFFFFFEF7, lr;
	s5 =	simm.s32 $0xFFFFFFFF;
	p2 =	slt.u32 s8, $0xFFFFF086  }
0x1c: {  	p1 =	slt.u32 s9, $0xF7A;
	s5 =	simm.s32 @!p2 $0x0  }
0x1d: {  	s5 =	simm.s32 @p1 $0x1;
	p0 =	seq.s32 s7, s2  }
0x1e: {  	s7 =	smul.u32 @!p0 $0xF7A, s2;
	p2 =	seq.s32 @!p0 s5, $0x0  }
0x1f: {  	s9 =	smul.u32 $0xF7A, s1;
	s8 =	simm.s32 @!p0 $0x1BF5;
	p2 =	por !p2, p0  }
0x20: {  	[sflag:s8] =	ssyncset.s32 @!p0 $0xFFFFF086;
	s6 =	sadd.s32 @!p0 s3, s7;
	s7 =	simm.s32 @!p0 $0x108  }
0x21: {  	s3 =	sadd.s32 s3, s9;
	s6 =	sadd.s32 @!p0 $0x88, s6;
	s7 =	simm.s32 @p2 $0x1082  }
0x22: {  	[simem:s7], [sflag:s8] =	dma.local @!p0 [hbm:s6], $0xF7A  }
0x23: {  	s9 =	sor.u32 $0xD0000000, s2;
	s6 =	simm.s32 $0x108;
	_ =	swait.ge @!p0 [sflag:s8], $0x0  }
0x24: {  	s3 =	sadd.s32 $0x88, s3;
	s6 =	simm.s32 @!p1 $0x1082;
	[sflag:s4] =	ssyncset.s32 $0xFFFFF086  }
0x25: {  	[simem:s6], [sflag:s4] =	dma.local [hbm:s3], $0xF7A  }
0x26: {  	[smem:$0x3F9D] =	sst s1;
	(tag) =	ssettag s2;
	_ =	strace s9  }
0x27: {  	s1 =	sld [smem:$0x3FAD]  }
0x28: {  	s2 =	sld [smem:$0x3FAE]  }
0x29: {  	s4 =	sld [smem:$0x3FB0]  }
0x2a: {  	p0 =	seq.s32 s5, $0x0;
	s5 =	sld [smem:$0x3FB1]  }
0x2b: {  	s6 =	sld [smem:$0x3FB2]  }
0x2c: {  	s7 =	sld [smem:$0x3FB3]  }
0x2d: {  	s3 =	simm.s32 $0x108;
	s8 =	sld [smem:$0x3FB4]  }
0x2e: {  	s3 =	simm.s32 @!p0 $0x1082;
	s9 =	sld [smem:$0x3FB5]  }
0x2f: {  	lr =	sadd.s32 s0, s3;
	s0 =	sld [smem:$0x3FAC]  }
0x30: {  	s3 =	sld [smem:$0x3FAF]  }
0x31: {  	[smem:$0x3FB8] =	sst s10  }
0x32: {  	s10 =	sld [smem:$0x3FB6];
	_ =	sdelay $0x3  }
0x33: {  	p0 =	seq.s32 s10, $0x1;
	s10 =	sld [smem:$0x3FB8];
	_ =	sdelay $0x3  }
0x34: {  	[smem:$0x3FB8] =	sst s10  }
0x35: {  	s10 =	sld [smem:$0x3FB7];
	_ =	sdelay $0x3  }
0x36: {  	p1 =	seq.s32 s10, $0x1;
	s10 =	sld [smem:$0x3FB8];
	_ =	sdelay $0x3  }
0x37: {  	[smem:$0x3FB8] =	sst s10  }
0x38: {  	s10 =	sld [smem:$0x3FB9]  }
0x39: {  	_ = 	snop;
	(pc) =	sbr.ind lr, $3  }
0x3a: {  	_ = 	snop  }
0x3b: {  	_ = 	snop  }
0x3c: {  	p2 =	seq.s32 s10, $0x1;
	s10 =	sld [smem:$0x3FB8]  }
0x3d: {  	_ =	shalt  }
0x3e: {  	_ =	shalt  }
0x3f: {  	_ =	shalt  }
0x40: {  	_ =	shalt  }
0x41: {  	_ =	shalt  }
0x42: {  	_ =	shalt  }
0x43: {  	_ =	shalt  }
0x44: {  	_ =	shalt  }
0x45: {  	_ =	shalt  }
0x46: {  	_ =	shalt  }
0x47: {  	_ =	shalt  }
0x48: {  	_ =	shalt  }
0x49: {  	_ =	shalt  }
0x4a: {  	_ =	shalt  }
0x4b: {  	_ =	shalt  }
0x4c: {  	_ =	shalt  }
0x4d: {  	_ =	shalt  }
0x4e: {  	_ =	shalt  }
0x4f: {  	_ =	shalt  }
0x50: {  	_ =	shalt  }
0x51: {  	_ =	shalt  }
0x52: {  	_ =	shalt  }
0x53: {  	_ =	shalt  }
0x54: {  	_ =	shalt  }
0x55: {  	_ =	shalt  }
0x56: {  	_ =	shalt  }
0x57: {  	_ =	shalt  }
0x58: {  	_ =	shalt  }
0x59: {  	_ =	shalt  }
0x5a: {  	_ =	shalt  }
0x5b: {  	_ =	shalt  }
0x5c: {  	_ =	shalt  }
0x5d: {  	_ =	shalt  }
0x5e: {  	_ =	shalt  }
0x5f: {  	_ =	shalt  }
0x60: {  	_ =	shalt  }
0x61: {  	_ =	shalt  }
0x62: {  	_ =	shalt  }
0x63: {  	_ =	shalt  }
0x64: {  	_ =	shalt  }
0x65: {  	_ =	shalt  }
0x66: {  	_ =	shalt  }
0x67: {  	_ =	shalt  }
0x68: {  	_ =	shalt  }
0x69: {  	_ =	shalt  }
0x6a: {  	_ =	shalt  }
0x6b: {  	_ =	shalt  }
0x6c: {  	_ =	shalt  }
0x6d: {  	_ =	shalt  }
0x6e: {  	_ =	shalt  }
0x6f: {  	_ =	shalt  }
0x70: {  	_ =	shalt  }
0x71: {  	_ =	shalt  }
0x72: {  	_ =	shalt  }
0x73: {  	_ =	shalt  }
0x74: {  	_ =	shalt  }
0x75: {  	_ =	shalt  }
0x76: {  	_ =	shalt  }
0x77: {  	_ =	shalt  }
0x78: {  	_ =	shalt  }
0x79: {  	_ =	shalt  }
0x7a: {  	_ =	shalt  }
0x7b: {  	_ =	shalt  }
0x7c: {  	_ =	shalt  }
0x7d: {  	_ =	shalt  }
0x7e: {  	_ =	shalt  }
0x7f: {  	_ =	shalt  }
0x80: {  	_ =	shalt  }
0x81: {  	_ =	shalt  }
0x82: {  	_ =	shalt  }
0x83: {  	_ =	shalt  }
0x84: {  	_ =	shalt  }
0x85: {  	_ =	shalt  }
0x86: {  	_ =	shalt  }
0x87: {  	_ =	shalt  }
.Lfunc_end0:
.L_simem_size_0:
called_computation_lowered:
.L_overlay_start_0:
0x88: {  	s2 =	sld [smem:$0x3FD9]  }
0x89: {  	s3 =	sld [smem:$0x3FFE];
	_ =	sdelay $0x1  }
0x8a: {  	s1 =	srdreg.scid  }
0x8b: {  	s0 =	sand.u32 $0x1, s1  }
0x8c: {  	s17 =	sshll.u32 s0, $0xA;
	s2 =	sadd.s32 s3, s2  }
0x8d: {  	s2 =	sadd.s32 s2, s17  }
0x8e: {  	[smem:$0x3FC4] =	sst s2  }
0x8f: {  	_ = 	snop  }
0x90: {  	s2 =	sld [smem:$0x3FD0];
	(tm) =	ssettm $0x1  }
0x91: {  	s18 =	sld [smem:$0x3FFB];
	_ =	sdelay $0x3  }
0x92: {  	_ =	strace s18  }
0x93: {  	s3 =	sld [smem:$0x3FFC];
	_ =	sdelay $0x3  }
0x94: {  	_ =	strace s3  }
0x95: {  	s3 =	sld [smem:$0x3FFD];
	_ =	sdelay $0x3  }
0x96: {  	_ =	strace s3  }
0x97: {  	_ =	strace $0x8FFFFFFF  }
0x98: {  	s19 =	sld [smem:$0x3FDB];
	_ =	sdelay $0x1  }
0x99: {  	s4 =	simm.s32 $_scs_section_size  }
0x9a: {  	s5 =	simm.s32 $_size__tile_overlayer_lowered;
	s6 =	simm.s32 $_tile_overlayer_lowered  }
0x9b: {  	s22 =	simm.s32 $0x1BFF;
	s21 =	sshll.u32 s6, $0x1;
	s3 =	sadd.s32 s4, s19  }
0x9c: {  	s7 =	simm.s32 $0x0;
	s20 =	sshll.u32 s5, $0x1;
	s5 =	sadd.s32 s21, s3  }
0x9d: {  	[timem:s7], [sflag:s22] =	dma.local [hbm:s5], s20  }
0x9e: {  	_ =	swait.ge [sflag:s22], s20  }
0x9f: {  	s4 =	ssub.s32 $0x0, s20;
	[sflag:s22] =	ssyncset.done $0x0  }
0xa0: {  	[sflag:s22] =	ssyncadd.s32 s4;
	_ =	sdelay $0x1  }
0xa1: {  	s23 =	simm.s32 $0x1B8B  }
0xa2: {  	_ =	swait.ge [sflag:s23], $0x1  }
0xa3: {  	[sflag:s23] =	ssyncset.done $0x0  }
0xa4: {  	s25 =	simm.s32 $0x1B8E;
	s24 =	sld [smem:$0x3FFE];
	[sflag:s23] =	ssyncadd.s32 $0xFFFFFFFF  }
0xa5: {  	s26 =	simm.s32 $execute0_lowered;
	[smem:$0x3FD2] =	sst s25  }
0xa6: {  	s5 =	sshll.u32 s26, $0x1;
	_ =	strace $0x80000046;
	[dreg:$0x1] =	wrdreg $0xFFFFFFFF  }
0xa7: {  	s28 =	simm.s32 $_size_execute0_lowered;
	s3 =	sadd.s32 s3, s5;
	[dreg:$0x0] =	wrdreg $0x0  }
0xa8: {  	s5 =	sshll.u32 s28, $0x1;
	[dreg:$0x2] =	wrdreg s3  }
0xa9: {  	[dreg:$0x3] =	wrdreg s5  }
0xaa: {  	[dreg:$0x4] =	wrdreg $0xC0  }
0xab: {  	_ =	task [dreg:s7], $0x5FFFF  }
0xac: {  	[dreg:$0x1] =	wrdreg $0xFFFFFFFF  }
0xad: {  	[dreg:$0x0] =	wrdreg $0x60  }
0xae: {  	[dreg:$0x2] =	wrdreg s2  }
0xaf: {  	[dreg:$0x3] =	wrdreg s24  }
0xb0: {  	[dreg:$0x4] =	wrdreg $0x29900  }
0xb1: {  	[dreg:$0x5] =	wrdreg $0x9  }
0xb2: {  	_ =	task.clear_ibuf [dreg:s7], $0x6FFFF;
	_ =	strace $0x90000046  }
0xb3: {  	s29 =	simm.s32 $0x9;
	_ =	strace $0x80000048  }
0xb4: {  	_ =	swait.ge [sflag:s29], $0x1  }
0xb5: {  	[sflag:s29] =	ssyncadd.s32 $0xFFFFFFFF  }
0xb6: {  	_ =	strace $0x90000048  }
0xb7: {  	_ =	sfence  }
0xb8: {  	s30 =	sld [smem:$0x0];
	_ =	sdelay $0x2  }
0xb9: {  	s31 =	sshll.u32 s1, $0xD;
	s1 =	sshrl.u32 s1, $0x2  }
0xba: {  	s3 =	sand.u32 $0x4000, s31;
	s1 =	sadd.s32 s1, s30  }
0xbb: {  	s0 =	sor.u32 s3, s0;
	s1 =	sshll.u32 s1, $0x11  }
0xbc: {  	s0 =	sor.u32 s1, s0  }
0xbd: {  	s0 =	sadd.s32 $0x8F2B, s0  }
0xbe: {  	[sflag:s0] =	ssyncadd.remote.s32 $0x1  }
0xbf: {  	_ =	sfence.sel $0xFFFF  }
0xc0: {  	[dreg:$0x0] =	wrdreg $0xFFFFFFFF;
	(pc) =	sbr.abs _section_cstart, $3  }
0xc1: {  	[dreg:$0x1] =	wrdreg $0xFFFFFFFF  }
0xc2: {  	_ =	task.clear_ibuf [dreg:s7], $0x2FFFF;
	_ =	strace $0x9FFFFFFF  }
0xc3: {  	(tm) =	ssettm $0x7FFFFFFF  }
tec
execute0_lowered:
.L_overlay_start_1:
0x0: {  	(tag) =	ssettag $0x1  }
0x1: {  	s7 =	rddreg [dreg:$0x0]  }
0x2: {  	s6 =	rddreg [dreg:$0x1]  }
0x3: {  	s1 =	rddreg [dreg:$0x2]  }
0x4: {  	s0 =	rddreg [dreg:$0x3]  }
0x5: {  	s3 =	simm.s32 $0x0;
	s2 =	srdreg.scid;
	s14 =	simm.s32 $0x1  }
0x6: {  	s15 =	simm.s32 $0x26C0;
	[smem:$0x7FF] =	sst s3;
	s8 =	sand.u32 $0x1, s2  }
0x7: {  	s16 =	simm.s32 $0x0;
	s2 =	stileid.u32;
	s9 =	smul.u32 $0x13880, s8  }
0x8: {  	s4 =	sadd.s32 $0x800, s6;
	s5 =	sadd.s32 $0xA00, s6;
	s10 =	smul.u32 $0x1388, s2  }
0x9: {  	_ =	strace $0x80000047;
	s11 =	sxor.u32 $0x1, s8;
	s28 =	smul.u32 $0x2710, s2  }
0xa: {  	s8 =	ssub.s32 $0x2, s8;
	s13 =	smul.u32 $0x4E20, s2;
	s31 =	sshll.u32 s2, $0x6  }
0xb: {  	s11 =	smul.u32 $0x27100, s11;
	s12 =	sshrl.u32 s8, $0x1;
	s9 =	sadd.s32 s10, s9  }
0xc: {  	s12 =	ssub.s32 s8, s12;
	s30 =	sshrl.u32 s13, $0x2;
	s9 =	sshrl.u32 s9, $0x3  }
0xd: {  	s29 =	sadd.s32 s28, s11;
	s13 =	sadd.s32 s30, s1;
	s9 =	sadd.s32 s9, s6  }
0xe: {  	s11 =	sshrl.u32 s29, $0x3;
	s6 =	sor.u32 $0x1C02, s31;
	s10 =	sshrl.u32 s13, $0x3  }
0xf: {  	s13 =	simm.s32 $0x50;
	s7 =	sadd.s32 s7, s11;
	s8 =	sadd.s32 $0xE00, s9  }
0x10: {  	s9 =	smax.u32 s12, $0x1;
	s11 =	simm.s32 $0x2;
	s12 =	simm.s32 $0x2710  }
.LBB2_1:
0x11: {  	[spmem:s10], [sflag:s6] =	dma.local [hbm:s5], $0x271  }
0x12: {  	_ =	swait.ge [sflag:s11], $0x271  }
0x13: {  	[sflag:s11] =	ssyncset.done $0x0  }
0x14: {  	[sflag:s11] =	ssyncadd.s32 $0xFFFFFD8F  }
0x15: {  	[tilespmem:s12], [sflag:$0x2] =	stream.linear.gather [hbm4b:s4+s3], $0x280, $0x38;
	[tilespmem:$0x3D18] =	vst v63  }
0x16: {  	_ =	swait.ge [sflag:s11], $0x280  }
0x17: {  	[sflag:s11] =	ssyncset.done $0x0  }
0x18: {  	[sflag:s11] =	ssyncadd.s32 $0xFFFFFD80  }
0x19: {  	[tilespmem:s3], [sflag:$0x2] =	stream.linear.gather [hbm4b:s7+s3], $0x2710, $0x38;
	[tilespmem:$0x3D18] =	vst v63  }
0x1a: {  	_ =	swait.ge [sflag:s11], $0x2710  }
0x1b: {  	[sflag:s11] =	ssyncset.done $0x0  }
0x1c: {  	[sflag:s11] =	ssyncadd.s32 $0xFFFFD8F0  }
0x1d: {  	s17 =	simm.s32 $0x0;
	[bflag:$0x0] =	sbarrier.arrive $0xFFFF  }
0x1e: {  	[spmem:s1] =	stream.indirect.scatter.add.f32 [tilespmem:s12], [sflag:$0x1], $0x8, s17, s13, $0xb8;
	[tilespmem:$0x3D18] =	vst v63  }
0x1f: {  	s31 =	simm.s32 $0x50  }
0x20: {  	[spmem:s1] =	stream.indirect.scatter.add.f32 [tilespmem:s12], [sflag:$0x1], $0x8, s31, s13, $0xb8;
	[tilespmem:$0x3D18] =	vst v63  }
0x21: {  	_ =	swait.ge [sflag:s14], $0x280  }
0x22: {  	[sflag:s14] =	ssyncset.done $0x0  }
0x23: {  	[sflag:s14] =	ssyncadd.s32 $0xFFFFFD80  }
0x24: {  	_ =	swait.ge [sflag:s14], $0x280  }
0x25: {  	s18 =	simm.s32 $0x500;
	s17 =	simm.s32 $0x280;
	[sflag:s14] =	ssyncset.done $0x0  }
.LBB2_2:
0x26: {  	s19 =	sshra.s32 s17, $0x2  }
0x27: {  	[sflag:s14] =	ssyncadd.s32 $0xFFFFFD80;
	s17 =	smov.u32 s18;
	s20 =	sadd.s32 $0x280, s18  }
0x28: {  	[spmem:s1] =	stream.indirect.scatter.add.f32 [tilespmem:s12], [sflag:$0x1], $0x8, s19, s13, $0xb8;
	[tilespmem:$0x3D18] =	vst v63  }
0x29: {  	p0 =	sne.s32 s18, $0x9880;
	s18 =	sadd.s32 $0x50, s19  }
0x2a: {  	[spmem:s1] =	stream.indirect.scatter.add.f32 [tilespmem:s12], [sflag:$0x1], $0x8, s18, s13, $0xb8;
	[tilespmem:$0x3D18] =	vst v63  }
.Ltmp0:
0x2b: {  	_ =	swait.ge [sflag:s14], $0x280;
	(pc) =	sbr.rel @p0 .LBB2_2-.Ltmp0, $4  }
0x2c: {  	[sflag:s14] =	ssyncset.done $0x0  }
0x2d: {  	[sflag:s14] =	ssyncadd.s32 $0xFFFFFD80  }
0x2e: {  	_ =	swait.ge [sflag:s14], $0x280  }
0x2f: {  	s18 =	smov.u32 s20;
	[sflag:s14] =	ssyncset.done $0x0  }
0x30: {  	s17 =	sshra.s32 s17, $0x2;
	[sflag:s14] =	ssyncadd.s32 $0xFFFFFD80  }
0x31: {  	[spmem:s1] =	stream.indirect.scatter.add.f32 [tilespmem:s12], [sflag:$0x1], $0x8, s17, s13, $0xb8;
	[tilespmem:$0x3D18] =	vst v63  }
0x32: {  	s17 =	sadd.s32 $0x50, s17  }
0x33: {  	[spmem:s1] =	stream.indirect.scatter.add.f32 [tilespmem:s12], [sflag:$0x1], $0x8, s17, s13, $0xb8;
	[tilespmem:$0x3D18] =	vst v63  }
0x34: {  	_ =	swait.ge [sflag:s14], $0x280  }
0x35: {  	[sflag:s14] =	ssyncset.done $0x0  }
0x36: {  	[sflag:s14] =	ssyncadd.s32 $0xFFFFFD80  }
0x37: {  	_ =	swait.ge [sflag:s14], $0x280  }
0x38: {  	[sflag:s14] =	ssyncset.done $0x0  }
0x39: {  	[sflag:s14] =	ssyncadd.s32 $0xFFFFFD80  }
0x3a: {  	[spmem:s1] =	stream.indirect.scatter.add.f32 [tilespmem:s12], [sflag:$0x2], $0x8, s15, s13, $0xb8;
	[tilespmem:$0x3D18] =	vst v63  }
0x3b: {  	_ =	swait.ge [sflag:s11], $0x280  }
0x3c: {  	s16 =	sadd.s32 $0x1, s16;
	[sflag:s11] =	ssyncset.done $0x0  }
0x3d: {  	p0 =	sne.s32 s16, s9;
	[sflag:s11] =	ssyncadd.s32 $0xFFFFFD80  }
.Ltmp1:
0x3e: {  	[bflag:$0x0] =	sbarrier.arrive $0xFFFF;
	(pc) =	sbr.rel @p0 .LBB2_1-.Ltmp1, $4  }
0x3f: {  	[hbm:s8], [sflag:s6] =	dma.local [spmem:s10], $0x271  }
0x40: {  	_ =	swait.ge [sflag:s11], $0x271  }
0x41: {  	[sflag:s11] =	ssyncset.done $0x0  }
0x42: {  	[sflag:s11] =	ssyncadd.s32 $0xFFFFFD8F  }
0x43: {  	_ =	sfence.sel $0x180000  }
0x44: {  	[bflag:$0x0] =	sbarrier.arrive $0xFFFF  }
0x45: {  	p0 =	sne.s32 s2, $0x0;
	_ =	strace $0x90000047  }
0x46: {  	s0 =	sadd.s32 @!p0 $0x100000, s0;
	[bflag:$0x2] =	sbarrier.arrive $0xFFFF  }
0x47: {  	[sflag:s0] =	ssyncadd.tile.s32 @!p0 $0x1;
	_ =	shalt  }
.Lfunc_end2:
_tile_overlayer_lowered:
.L_overlay_start_2:
0x48: {  	(tag) =	ssettag $0x2  }
0x49: {  	s0 =	rddreg [dreg:$0x0];
	s2 =	stileid.u32  }
0x4a: {  	s1 =	rddreg [dreg:$0x1];
	p0 =	sne.s32 s2, $0x0  }
0x4b: {  	s3 =	rddreg [dreg:$0x2];
	[bflag:$0x3] =	sbarrier.arrive $0xFFFF;
	s2 =	simm.s32 @!p0 $0x1C02  }
0x4c: {  	[timem:s3], [sflag:s2] =	dma.local @!p0 [hbm:s0], s1  }
0x4d: {  	s0 =	simm.s32 @!p0 $0x2  }
0x4e: {  	_ =	swait.ge @!p0 [sflag:s0], s1  }
0x4f: {  	s1 =	ssub.s32 @!p0 $0x0, s1;
	[sflag:s0] =	ssyncset.done @!p0 $0x0  }
0x50: {  	[sflag:s0] =	ssyncadd.s32 @!p0 s1  }
0x51: {  	[bflag:$0x3] =	sbarrier.arrive $0xFFFF  }
0x52: {  	_ =	shalt  }

// kernel: kernel.9.cloned.1.call-start
scs
__scs_entry_jumppad:
0x0: {  	(pc) =	sbr.rel $0x88, $3  }
0x1: {  	(tag) =	ssettag $0x0;
	lr =	simm.s32 $0x1  }
0x2: {  	[smem:$0x3F9D] =	sst lr;
	_ =	strace $0xD0000000  }
0x3: {  	_ = 	snop  }
0x4: {  	_ = 	snop  }
0x5: {  	_ = 	snop  }
0x6: {  	_ = 	snop  }
0x7: {  	_ = 	snop  }
__scs_overlays_trampoline_lowered:
0x8: {  	[smem:$0x3FAC] =	sst s0  }
0x9: {  	[smem:$0x3FAD] =	sst s1  }
0xa: {  	[smem:$0x3FAE] =	sst s2  }
0xb: {  	[smem:$0x3FAF] =	sst s3  }
0xc: {  	[smem:$0x3FB0] =	sst s4  }
0xd: {  	[smem:$0x3FB1] =	sst s5  }
0xe: {  	[smem:$0x3FB2] =	sst s6  }
0xf: {  	[smem:$0x3FB3] =	sst s7  }
0x10: {  	[smem:$0x3FB4] =	sst s8  }
0x11: {  	[smem:$0x3FB5] =	sst s9;
	s0 =	simm.s32 @!p0 $0x0  }
0x12: {  	s1 =	sld [smem:$0x3F9B];
	s0 =	simm.s32 @p0 $0x1  }
0x13: {  	[smem:$0x3FB6] =	sst s0;
	s0 =	simm.s32 @!p1 $0x0  }
0x14: {  	s2 =	sld [smem:$0x3F9A];
	s0 =	simm.s32 @p1 $0x1  }
0x15: {  	[smem:$0x3FB7] =	sst s0;
	s0 =	simm.s32 @!p2 $0x0  }
0x16: {  	s3 =	sld [smem:$0x3FDB];
	s0 =	simm.s32 @p2 $0x1  }
0x17: {  	s4 =	simm.s32 $0x1BF5;
	[smem:$0x3FB9] =	sst s0  }
0x18: {  	s0 =	sld [smem:$0x3F9C];
	_ =	swait.ge [sflag:s4], $0x0  }
0x19: {  	s7 =	sld [smem:$0x3F9D]  }
0x1a: {  	s8 =	sadd.s32 $0xFFFFE003, lr  }
0x1b: {  	s9 =	sadd.s32 $0xFFFFFEF7, lr;
	s5 =	simm.s32 $0xFFFFFFFF;
	p2 =	slt.u32 s8, $0xFFFFF086  }
0x1c: {  	p1 =	slt.u32 s9, $0xF7A;
	s5 =	simm.s32 @!p2 $0x0  }
0x1d: {  	s5 =	simm.s32 @p1 $0x1;
	p0 =	seq.s32 s7, s2  }
0x1e: {  	s7 =	smul.u32 @!p0 $0xF7A, s2;
	p2 =	seq.s32 @!p0 s5, $0x0  }
0x1f: {  	s9 =	smul.u32 $0xF7A, s1;
	s8 =	simm.s32 @!p0 $0x1BF5;
	p2 =	por !p2, p0  }
0x20: {  	[sflag:s8] =	ssyncset.s32 @!p0 $0xFFFFF086;
	s6 =	sadd.s32 @!p0 s3, s7;
	s7 =	simm.s32 @!p0 $0x108  }
0x21: {  	s3 =	sadd.s32 s3, s9;
	s6 =	sadd.s32 @!p0 $0x88, s6;
	s7 =	simm.s32 @p2 $0x1082  }
0x22: {  	[simem:s7], [sflag:s8] =	dma.local @!p0 [hbm:s6], $0xF7A  }
0x23: {  	s9 =	sor.u32 $0xD0000000, s2;
	s6 =	simm.s32 $0x108;
	_ =	swait.ge @!p0 [sflag:s8], $0x0  }
0x24: {  	s3 =	sadd.s32 $0x88, s3;
	s6 =	simm.s32 @!p1 $0x1082;
	[sflag:s4] =	ssyncset.s32 $0xFFFFF086  }
0x25: {  	[simem:s6], [sflag:s4] =	dma.local [hbm:s3], $0xF7A  }
0x26: {  	[smem:$0x3F9D] =	sst s1;
	(tag) =	ssettag s2;
	_ =	strace s9  }
0x27: {  	s1 =	sld [smem:$0x3FAD]  }
0x28: {  	s2 =	sld [smem:$0x3FAE]  }
0x29: {  	s4 =	sld [smem:$0x3FB0]  }
0x2a: {  	p0 =	seq.s32 s5, $0x0;
	s5 =	sld [smem:$0x3FB1]  }
0x2b: {  	s6 =	sld [smem:$0x3FB2]  }
0x2c: {  	s7 =	sld [smem:$0x3FB3]  }
0x2d: {  	s3 =	simm.s32 $0x108;
	s8 =	sld [smem:$0x3FB4]  }
0x2e: {  	s3 =	simm.s32 @!p0 $0x1082;
	s9 =	sld [smem:$0x3FB5]  }
0x2f: {  	lr =	sadd.s32 s0, s3;
	s0 =	sld [smem:$0x3FAC]  }
0x30: {  	s3 =	sld [smem:$0x3FAF]  }
0x31: {  	[smem:$0x3FB8] =	sst s10  }
0x32: {  	s10 =	sld [smem:$0x3FB6];
	_ =	sdelay $0x3  }
0x33: {  	p0 =	seq.s32 s10, $0x1;
	s10 =	sld [smem:$0x3FB8];
	_ =	sdelay $0x3  }
0x34: {  	[smem:$0x3FB8] =	sst s10  }
0x35: {  	s10 =	sld [smem:$0x3FB7];
	_ =	sdelay $0x3  }
0x36: {  	p1 =	seq.s32 s10, $0x1;
	s10 =	sld [smem:$0x3FB8];
	_ =	sdelay $0x3  }
0x37: {  	[smem:$0x3FB8] =	sst s10  }
0x38: {  	s10 =	sld [smem:$0x3FB9]  }
0x39: {  	_ = 	snop;
	(pc) =	sbr.ind lr, $3  }
0x3a: {  	_ = 	snop  }
0x3b: {  	_ = 	snop  }
0x3c: {  	p2 =	seq.s32 s10, $0x1;
	s10 =	sld [smem:$0x3FB8]  }
0x3d: {  	_ =	shalt  }
0x3e: {  	_ =	shalt  }
0x3f: {  	_ =	shalt  }
0x40: {  	_ =	shalt  }
0x41: {  	_ =	shalt  }
0x42: {  	_ =	shalt  }
0x43: {  	_ =	shalt  }
0x44: {  	_ =	shalt  }
0x45: {  	_ =	shalt  }
0x46: {  	_ =	shalt  }
0x47: {  	_ =	shalt  }
0x48: {  	_ =	shalt  }
0x49: {  	_ =	shalt  }
0x4a: {  	_ =	shalt  }
0x4b: {  	_ =	shalt  }
0x4c: {  	_ =	shalt  }
0x4d: {  	_ =	shalt  }
0x4e: {  	_ =	shalt  }
0x4f: {  	_ =	shalt  }
0x50: {  	_ =	shalt  }
0x51: {  	_ =	shalt  }
0x52: {  	_ =	shalt  }
0x53: {  	_ =	shalt  }
0x54: {  	_ =	shalt  }
0x55: {  	_ =	shalt  }
0x56: {  	_ =	shalt  }
0x57: {  	_ =	shalt  }
0x58: {  	_ =	shalt  }
0x59: {  	_ =	shalt  }
0x5a: {  	_ =	shalt  }
0x5b: {  	_ =	shalt  }
0x5c: {  	_ =	shalt  }
0x5d: {  	_ =	shalt  }
0x5e: {  	_ =	shalt  }
0x5f: {  	_ =	shalt  }
0x60: {  	_ =	shalt  }
0x61: {  	_ =	shalt  }
0x62: {  	_ =	shalt  }
0x63: {  	_ =	shalt  }
0x64: {  	_ =	shalt  }
0x65: {  	_ =	shalt  }
0x66: {  	_ =	shalt  }
0x67: {  	_ =	shalt  }
0x68: {  	_ =	shalt  }
0x69: {  	_ =	shalt  }
0x6a: {  	_ =	shalt  }
0x6b: {  	_ =	shalt  }
0x6c: {  	_ =	shalt  }
0x6d: {  	_ =	shalt  }
0x6e: {  	_ =	shalt  }
0x6f: {  	_ =	shalt  }
0x70: {  	_ =	shalt  }
0x71: {  	_ =	shalt  }
0x72: {  	_ =	shalt  }
0x73: {  	_ =	shalt  }
0x74: {  	_ =	shalt  }
0x75: {  	_ =	shalt  }
0x76: {  	_ =	shalt  }
0x77: {  	_ =	shalt  }
0x78: {  	_ =	shalt  }
0x79: {  	_ =	shalt  }
0x7a: {  	_ =	shalt  }
0x7b: {  	_ =	shalt  }
0x7c: {  	_ =	shalt  }
0x7d: {  	_ =	shalt  }
0x7e: {  	_ =	shalt  }
0x7f: {  	_ =	shalt  }
0x80: {  	_ =	shalt  }
0x81: {  	_ =	shalt  }
0x82: {  	_ =	shalt  }
0x83: {  	_ =	shalt  }
0x84: {  	_ =	shalt  }
0x85: {  	_ =	shalt  }
0x86: {  	_ =	shalt  }
0x87: {  	_ =	shalt  }
.Lfunc_end0:
.L_simem_size_0:
called_computation.1_lowered:
.L_overlay_start_0:
0x88: {  	s2 =	sld [smem:$0x3FD9]  }
0x89: {  	s3 =	sld [smem:$0x3FFE];
	_ =	sdelay $0x1  }
0x8a: {  	s1 =	srdreg.scid  }
0x8b: {  	s0 =	sand.u32 $0x1, s1  }
0x8c: {  	s17 =	sshll.u32 s0, $0xA;
	s2 =	sadd.s32 s3, s2  }
0x8d: {  	s2 =	sadd.s32 s2, s17  }
0x8e: {  	[smem:$0x3FC4] =	sst s2  }
0x8f: {  	_ = 	snop  }
0x90: {  	s2 =	sld [smem:$0x3FD0];
	(tm) =	ssettm $0x1  }
0x91: {  	s18 =	sld [smem:$0x3FFB];
	_ =	sdelay $0x3  }
0x92: {  	_ =	strace s18  }
0x93: {  	s3 =	sld [smem:$0x3FFC];
	_ =	sdelay $0x3  }
0x94: {  	_ =	strace s3  }
0x95: {  	s3 =	sld [smem:$0x3FFD];
	_ =	sdelay $0x3  }
0x96: {  	_ =	strace s3  }
0x97: {  	_ =	strace $0x8FFFFFFF  }
0x98: {  	s19 =	sld [smem:$0x3FDB];
	_ =	sdelay $0x1  }
0x99: {  	s4 =	simm.s32 $_scs_section_size  }
0x9a: {  	s5 =	simm.s32 $_size__tile_overlayer_lowered;
	s6 =	simm.s32 $_tile_overlayer_lowered  }
0x9b: {  	s22 =	simm.s32 $0x1BFF;
	s21 =	sshll.u32 s6, $0x1;
	s3 =	sadd.s32 s4, s19  }
0x9c: {  	s7 =	simm.s32 $0x0;
	s20 =	sshll.u32 s5, $0x1;
	s5 =	sadd.s32 s21, s3  }
0x9d: {  	[timem:s7], [sflag:s22] =	dma.local [hbm:s5], s20  }
0x9e: {  	_ =	swait.ge [sflag:s22], s20  }
0x9f: {  	s4 =	ssub.s32 $0x0, s20;
	[sflag:s22] =	ssyncset.done $0x0  }
0xa0: {  	[sflag:s22] =	ssyncadd.s32 s4;
	_ =	sdelay $0x1  }
0xa1: {  	s23 =	simm.s32 $0x1B8B  }
0xa2: {  	_ =	swait.ge [sflag:s23], $0x1  }
0xa3: {  	[sflag:s23] =	ssyncset.done $0x0  }
0xa4: {  	s25 =	simm.s32 $0x1B8E;
	s24 =	sld [smem:$0x3FFE];
	[sflag:s23] =	ssyncadd.s32 $0xFFFFFFFF  }
0xa5: {  	s26 =	simm.s32 $execute0_lowered;
	[smem:$0x3FD2] =	sst s25  }
0xa6: {  	s5 =	sshll.u32 s26, $0x1;
	_ =	strace $0x80000049;
	[dreg:$0x1] =	wrdreg $0xFFFFFFFF  }
0xa7: {  	s28 =	simm.s32 $_size_execute0_lowered;
	s3 =	sadd.s32 s3, s5;
	[dreg:$0x0] =	wrdreg $0x0  }
0xa8: {  	s5 =	sshll.u32 s28, $0x1;
	[dreg:$0x2] =	wrdreg s3  }
0xa9: {  	[dreg:$0x3] =	wrdreg s5  }
0xaa: {  	[dreg:$0x4] =	wrdreg $0xC0  }
0xab: {  	_ =	task [dreg:s7], $0x5FFFF  }
0xac: {  	[dreg:$0x1] =	wrdreg $0xFFFFFFFF  }
0xad: {  	[dreg:$0x0] =	wrdreg $0x60  }
0xae: {  	[dreg:$0x2] =	wrdreg s24  }
0xaf: {  	[dreg:$0x3] =	wrdreg s2  }
0xb0: {  	[dreg:$0x4] =	wrdreg $0xB7800  }
0xb1: {  	[dreg:$0x5] =	wrdreg $0x9  }
0xb2: {  	_ =	task.clear_ibuf [dreg:s7], $0x6FFFF;
	_ =	strace $0x90000049  }
0xb3: {  	s29 =	simm.s32 $0x9;
	_ =	strace $0x8000004B  }
0xb4: {  	_ =	swait.ge [sflag:s29], $0x1  }
0xb5: {  	[sflag:s29] =	ssyncadd.s32 $0xFFFFFFFF  }
0xb6: {  	_ =	strace $0x9000004B  }
0xb7: {  	_ =	sfence  }
0xb8: {  	s30 =	sld [smem:$0x0];
	_ =	sdelay $0x2  }
0xb9: {  	s31 =	sshll.u32 s1, $0xD;
	s1 =	sshrl.u32 s1, $0x2  }
0xba: {  	s3 =	sand.u32 $0x4000, s31;
	s1 =	sadd.s32 s1, s30  }
0xbb: {  	s0 =	sor.u32 s3, s0;
	s1 =	sshll.u32 s1, $0x11  }
0xbc: {  	s0 =	sor.u32 s1, s0  }
0xbd: {  	s0 =	sadd.s32 $0x8F2B, s0  }
0xbe: {  	[sflag:s0] =	ssyncadd.remote.s32 $0x1  }
0xbf: {  	_ =	sfence.sel $0xFFFF  }
0xc0: {  	[dreg:$0x0] =	wrdreg $0xFFFFFFFF;
	(pc) =	sbr.abs _section_cstart, $3  }
0xc1: {  	[dreg:$0x1] =	wrdreg $0xFFFFFFFF  }
0xc2: {  	_ =	task.clear_ibuf [dreg:s7], $0x2FFFF;
	_ =	strace $0x9FFFFFFF  }
0xc3: {  	(tm) =	ssettm $0x7FFFFFFF  }
tec
execute0_lowered:
.L_overlay_start_1:
0x0: {  	(tag) =	ssettag $0x1  }
0x1: {  	s4 =	rddreg [dreg:$0x0]  }
0x2: {  	s8 =	rddreg [dreg:$0x1]  }
0x3: {  	s0 =	stileid.u32;
	s2 =	rddreg [dreg:$0x2]  }
0x4: {  	s3 =	simm.s32 $0x0;
	s26 =	srdreg.scid;
	s19 =	simm.s32 $0x50  }
0x5: {  	s20 =	simm.s32 $0x6780;
	s21 =	simm.s32 $0x8F80;
	s22 =	simm.s32 $0x1  }
0x6: {  	s23 =	simm.s32 $0x26C0;
	s24 =	simm.s32 $0x6580;
	s25 =	simm.s32 $0x0  }
0x7: {  	s1 =	sshrl.u32 s0, $0x3;
	s6 =	sshll.u32 s0, $0x7;
	s12 =	smul.u32 $0x13C00, s0  }
0x8: {  	[smem:$0x7FF] =	sst s3;
	s7 =	sshll.u32 s0, $0xB;
	s13 =	smul.u32 $0x4E200, s0  }
0x9: {  	s31 =	sshll.u32 s0, $0x6;
	s5 =	smul.u32 $0x13C00, s1;
	s1 =	rddreg [dreg:$0x3]  }
0xa: {  	s6 =	sand.u32 $0x380, s6;
	_ =	strace $0x8000004A;
	s7 =	sadd.s32 s7, s4  }
0xb: {  	s30 =	sshrl.u32 s13, $0x2;
	s5 =	sor.u32 s6, s5;
	s6 =	sand.u32 $0x1, s26  }
0xc: {  	s13 =	sor.u32 $0x1C02, s31;
	s14 =	sadd.s32 s30, s2;
	s9 =	smul.u32 $0x27100, s6  }
0xd: {  	s5 =	sshrl.u32 s5, $0x3;
	s10 =	ssub.s32 $0x2, s6;
	s11 =	smul.u32 $0x13C000, s6  }
0xe: {  	s6 =	sadd.s32 $0x5E00, s7;
	s15 =	sadd.s32 $0x3E80, s14;
	s16 =	sadd.s32 $0x7D00, s14  }
0xf: {  	s17 =	sadd.s32 $0xBB80, s14;
	s18 =	sadd.s32 $0xFA00, s14;
	s14 =	sshrl.u32 s14, $0x3  }
0x10: {  	s5 =	sadd.s32 s5, s4;
	s28 =	sshrl.u32 s10, $0x1;
	s15 =	sshrl.u32 s15, $0x3  }
0x11: {  	s16 =	sshrl.u32 s16, $0x3;
	s17 =	sshrl.u32 s17, $0x3;
	s18 =	sshrl.u32 s18, $0x3  }
0x12: {  	s9 =	sadd.s32 s9, s4;
	s4 =	sadd.s32 $0x800, s4;
	s10 =	ssub.s32 s10, s28  }
0x13: {  	s5 =	sadd.s32 $0xDE00, s5;
	s11 =	sadd.s32 s12, s11;
	s12 =	simm.s32 $0x2  }
0x14: {  	s7 =	sadd.s32 $0x12E00, s9;
	s29 =	sshrl.u32 s11, $0x3;
	s9 =	smax.u32 s10, $0x1  }
0x15: {  	s10 =	simm.s32 $0x80;
	s11 =	simm.s32 $0x400;
	s8 =	sadd.s32 s8, s29  }
.LBB2_1:
0x16: {  	[tilespmem:s3], [sflag:$0x2] =	stream.strided.gather [hbm4b:s5+s10], $0x2780, s11, s10, $0x38;
	[tilespmem:$0x1F000] =	vst v63  }
0x17: {  	_ =	swait.ge [sflag:s12], $0x2780  }
0x18: {  	[sflag:s12] =	ssyncset.done $0x0  }
0x19: {  	s26 =	simm.s32 $0x2780;
	[sflag:s12] =	ssyncadd.s32 $0xFFFFD880  }
0x1a: {  	[tilespmem:s26], [sflag:$0x2] =	stream.linear.gather [hbm4b:s6+s3], $0x3E80, $0x38;
	[tilespmem:$0x1F000] =	vst v63  }
0x1b: {  	_ =	swait.ge [sflag:s12], $0x3E80  }
0x1c: {  	[sflag:s12] =	ssyncset.done $0x0  }
0x1d: {  	[sflag:s12] =	ssyncadd.s32 $0xFFFFC180  }
0x1e: {  	[spmem:s14], [sflag:s13] =	dma.local [hbm:s4], $0x7D0  }
0x1f: {  	_ =	swait.ge [sflag:s12], $0x7D0  }
0x20: {  	[sflag:s12] =	ssyncset.done $0x0  }
0x21: {  	[sflag:s12] =	ssyncadd.s32 $0xFFFFF830  }
0x22: {  	[spmem:s15], [sflag:s13] =	dma.local [hbm:s4], $0x7D0  }
0x23: {  	_ =	swait.ge [sflag:s12], $0x7D0  }
0x24: {  	[sflag:s12] =	ssyncset.done $0x0  }
0x25: {  	[sflag:s12] =	ssyncadd.s32 $0xFFFFF830  }
0x26: {  	[spmem:s16], [sflag:s13] =	dma.local [hbm:s4], $0x7D0  }
0x27: {  	_ =	swait.ge [sflag:s12], $0x7D0  }
0x28: {  	[sflag:s12] =	ssyncset.done $0x0  }
0x29: {  	[sflag:s12] =	ssyncadd.s32 $0xFFFFF830  }
0x2a: {  	[spmem:s17], [sflag:s13] =	dma.local [hbm:s4], $0x7D0  }
0x2b: {  	_ =	swait.ge [sflag:s12], $0x7D0  }
0x2c: {  	[sflag:s12] =	ssyncset.done $0x0  }
0x2d: {  	[sflag:s12] =	ssyncadd.s32 $0xFFFFF830  }
0x2e: {  	[spmem:s18], [sflag:s13] =	dma.local [hbm:s4], $0x7D0  }
0x2f: {  	_ =	swait.ge [sflag:s12], $0x7D0  }
0x30: {  	[sflag:s12] =	ssyncset.done $0x0  }
0x31: {  	[sflag:s12] =	ssyncadd.s32 $0xFFFFF830  }
0x32: {  	s28 =	simm.s32 $0x0;
	[bflag:$0x0] =	sbarrier.arrive $0xFFFF  }
0x33: {  	[tilespmem:s20], [sflag:$0x1] =	stream.indirect.gather [hbm4b:s7+s19], $0x80, s28, s19, $0xb8;
	[tilespmem:$0x1F000] =	vst v63  }
0x34: {  	s28 =	simm.s32 $0x50  }
0x35: {  	[tilespmem:s21], [sflag:$0x1] =	stream.indirect.gather [hbm4b:s7+s19], $0x80, s28, s19, $0xb8;
	[tilespmem:$0x1F000] =	vst v63  }
0x36: {  	_ =	swait.ge [sflag:s22], $0x2800  }
0x37: {  	[sflag:s22] =	ssyncset.done $0x0  }
0x38: {  	[sflag:s22] =	ssyncadd.s32 $0xFFFFD800  }
0x39: {  	[spmem:s2] =	stream.indirect.scatter.add.f32 [tilespmem:s20], [sflag:$0x2], $0x80, s26, s19, $0xb8;
	[tilespmem:$0x1F000] =	vst v63  }
0x3a: {  	_ =	swait.ge [sflag:s12], $0x2800  }
0x3b: {  	[sflag:s12] =	ssyncset.done $0x0  }
0x3c: {  	[sflag:s12] =	ssyncadd.s32 $0xFFFFD800  }
0x3d: {  	_ =	swait.ge [sflag:s22], $0x2800  }
0x3e: {  	[sflag:s22] =	ssyncset.done $0x0  }
0x3f: {  	s31 =	simm.s32 $0x2800;
	[sflag:s22] =	ssyncadd.s32 $0xFFFFD800  }
0x40: {  	[spmem:s2] =	stream.indirect.scatter.add.f32 [tilespmem:s21], [sflag:$0x2], $0x80, s31, s19, $0xb8;
	[tilespmem:$0x1F000] =	vst v63  }
0x41: {  	s29 =	simm.s32 $0x500;
	_ =	swait.ge [sflag:s12], $0x2800  }
0x42: {  	s28 =	simm.s32 $0x280;
	s26 =	simm.s32 $0x2880;
	[sflag:s12] =	ssyncset.done $0x0  }
.LBB2_2:
0x43: {  	s30 =	sshra.s32 s28, $0x2  }
0x44: {  	[sflag:s12] =	ssyncadd.s32 $0xFFFFD800;
	s28 =	smov.u32 s29;
	s31 =	sadd.s32 $0x280, s29  }
0x45: {  	[tilespmem:s20], [sflag:$0x1] =	stream.indirect.gather [hbm4b:s7+s19], $0x80, s30, s19, $0xb8;
	[tilespmem:$0x1F000] =	vst v63  }
0x46: {  	p0 =	sne.s32 s29, $0x9880;
	s29 =	sadd.s32 $0x50, s30  }
0x47: {  	[tilespmem:s21], [sflag:$0x1] =	stream.indirect.gather [hbm4b:s7+s19], $0x80, s29, s19, $0xb8;
	[tilespmem:$0x1F000] =	vst v63  }
0x48: {  	_ =	swait.ge [sflag:s22], $0x2800  }
0x49: {  	[sflag:s22] =	ssyncset.done $0x0  }
0x4a: {  	[sflag:s22] =	ssyncadd.s32 $0xFFFFD800  }
0x4b: {  	[spmem:s2] =	stream.indirect.scatter.add.f32 [tilespmem:s20], [sflag:$0x2], $0x80, s26, s19, $0xb8;
	[tilespmem:$0x1F000] =	vst v63  }
0x4c: {  	_ =	swait.ge [sflag:s12], $0x2800  }
0x4d: {  	[sflag:s12] =	ssyncset.done $0x0  }
0x4e: {  	[sflag:s12] =	ssyncadd.s32 $0xFFFFD800  }
0x4f: {  	_ =	swait.ge [sflag:s22], $0x2800  }
.Ltmp0:
0x50: {  	[sflag:s22] =	ssyncset.done $0x0;
	(pc) =	sbr.rel @p0 .LBB2_2-.Ltmp0, $4  }
0x51: {  	s29 =	sadd.s32 $0x80, s26;
	[sflag:s22] =	ssyncadd.s32 $0xFFFFD800  }
0x52: {  	[spmem:s2] =	stream.indirect.scatter.add.f32 [tilespmem:s21], [sflag:$0x2], $0x80, s29, s19, $0xb8;
	[tilespmem:$0x1F000] =	vst v63  }
0x53: {  	_ =	swait.ge [sflag:s12], $0x2800  }
0x54: {  	s26 =	sadd.s32 $0x100, s26;
	s29 =	smov.u32 s31;
	[sflag:s12] =	ssyncset.done $0x0  }
0x55: {  	s28 =	sshra.s32 s28, $0x2;
	[sflag:s12] =	ssyncadd.s32 $0xFFFFD800  }
0x56: {  	[tilespmem:s20], [sflag:$0x1] =	stream.indirect.gather [hbm4b:s7+s19], $0x80, s28, s19, $0xb8;
	[tilespmem:$0x1F000] =	vst v63  }
0x57: {  	s28 =	sadd.s32 $0x50, s28  }
0x58: {  	[tilespmem:s21], [sflag:$0x1] =	stream.indirect.gather [hbm4b:s7+s19], $0x80, s28, s19, $0xb8;
	[tilespmem:$0x1F000] =	vst v63  }
0x59: {  	_ =	swait.ge [sflag:s22], $0x2800  }
0x5a: {  	[sflag:s22] =	ssyncset.done $0x0  }
0x5b: {  	[sflag:s22] =	ssyncadd.s32 $0xFFFFD800  }
0x5c: {  	[spmem:s2] =	stream.indirect.scatter.add.f32 [tilespmem:s20], [sflag:$0x2], $0x80, s26, s19, $0xb8;
	[tilespmem:$0x1F000] =	vst v63  }
0x5d: {  	_ =	swait.ge [sflag:s12], $0x2800  }
0x5e: {  	[sflag:s12] =	ssyncset.done $0x0  }
0x5f: {  	[sflag:s12] =	ssyncadd.s32 $0xFFFFD800  }
0x60: {  	_ =	swait.ge [sflag:s22], $0x2800  }
0x61: {  	[sflag:s22] =	ssyncset.done $0x0  }
0x62: {  	s31 =	sadd.s32 $0x80, s26;
	[sflag:s22] =	ssyncadd.s32 $0xFFFFD800  }
0x63: {  	[spmem:s2] =	stream.indirect.scatter.add.f32 [tilespmem:s21], [sflag:$0x2], $0x80, s31, s19, $0xb8;
	[tilespmem:$0x1F000] =	vst v63  }
0x64: {  	_ =	swait.ge [sflag:s12], $0x2800  }
0x65: {  	[sflag:s12] =	ssyncset.done $0x0  }
0x66: {  	[sflag:s12] =	ssyncadd.s32 $0xFFFFD800  }
0x67: {  	[tilespmem:s20], [sflag:$0x1] =	stream.indirect.gather [hbm4b:s7+s19], $0x80, s23, s19, $0xb8;
	[tilespmem:$0x1F000] =	vst v63  }
0x68: {  	_ =	swait.ge [sflag:s22], $0x2800  }
0x69: {  	[sflag:s22] =	ssyncset.done $0x0  }
0x6a: {  	[sflag:s22] =	ssyncadd.s32 $0xFFFFD800  }
0x6b: {  	[spmem:s2] =	stream.indirect.scatter.add.f32 [tilespmem:s20], [sflag:$0x2], $0x80, s24, s19, $0xb8;
	[tilespmem:$0x1F000] =	vst v63  }
0x6c: {  	_ =	swait.ge [sflag:s12], $0x2800  }
0x6d: {  	s25 =	sadd.s32 $0x1, s25;
	[sflag:s12] =	ssyncset.done $0x0  }
0x6e: {  	p0 =	sne.s32 s25, s9;
	[sflag:s12] =	ssyncadd.s32 $0xFFFFD800  }
.Ltmp1:
0x6f: {  	[bflag:$0x0] =	sbarrier.arrive $0xFFFF;
	(pc) =	sbr.rel @p0 .LBB2_1-.Ltmp1, $4  }
0x70: {  	[hbm:s8], [sflag:s13] =	dma.local [spmem:s14], $0x2710  }
0x71: {  	_ =	swait.ge [sflag:s12], $0x2710  }
0x72: {  	[sflag:s12] =	ssyncset.done $0x0  }
0x73: {  	[sflag:s12] =	ssyncadd.s32 $0xFFFFD8F0  }
0x74: {  	_ =	sfence.sel $0x180000  }
0x75: {  	[bflag:$0x0] =	sbarrier.arrive $0xFFFF  }
0x76: {  	p0 =	sne.s32 s0, $0x0;
	_ =	strace $0x9000004A  }
0x77: {  	s0 =	sadd.s32 @!p0 $0x100000, s1;
	[bflag:$0x2] =	sbarrier.arrive $0xFFFF  }
0x78: {  	[sflag:s0] =	ssyncadd.tile.s32 @!p0 $0x1;
	_ =	shalt  }
.Lfunc_end2:
_tile_overlayer_lowered:
.L_overlay_start_2:
0x79: {  	(tag) =	ssettag $0x2  }
0x7a: {  	s0 =	rddreg [dreg:$0x0];
	s2 =	stileid.u32  }
0x7b: {  	s1 =	rddreg [dreg:$0x1];
	p0 =	sne.s32 s2, $0x0  }
0x7c: {  	s3 =	rddreg [dreg:$0x2];
	[bflag:$0x3] =	sbarrier.arrive $0xFFFF;
	s2 =	simm.s32 @!p0 $0x1C02  }
0x7d: {  	[timem:s3], [sflag:s2] =	dma.local @!p0 [hbm:s0], s1  }
0x7e: {  	s0 =	simm.s32 @!p0 $0x2  }
0x7f: {  	_ =	swait.ge @!p0 [sflag:s0], s1  }
0x80: {  	s1 =	ssub.s32 @!p0 $0x0, s1;
	[sflag:s0] =	ssyncset.done @!p0 $0x0  }
0x81: {  	[sflag:s0] =	ssyncadd.s32 @!p0 s1  }
0x82: {  	[bflag:$0x3] =	sbarrier.arrive $0xFFFF  }
0x83: {  	_ =	shalt  }

</sc_bundles>
